<compile_context>
chip_gen: v7x
topology: tpu7x:2x2x1
jax: 0.10.2.dev20260603
libtpu: 0.0.44.dev20260713+nightly
codegen_flags: <defaults>
</compile_context>

<pallas_src>
import math

import jax
import jax.numpy as jnp
from jax import lax
from jax.experimental import pallas as pl
from jax.experimental.pallas import tpu as pltpu
from jax.experimental.pallas import tpu_sc as plsc

_SMOOTH = 0.1
_V = 32000
_B = 4096
_OFF = _SMOOTH / (_V - 2)
_ON = 1.0 - _SMOOTH
_C0 = _SMOOTH * math.log(_OFF) + _ON * math.log(_ON)

_CS = 16000
_CW = _V - _CS

_NC = 2
_NS = 16
_L = 16
_NW = _NC * _NS
_RPW = _B // _NW

_BR = 256
_BC = 3200
_NRB = _B // _BR
_NCB = _CS // _BC


def _sc_body(x2d_hbm, tgt_hbm, out_hbm, tgt_v, rv_v, part_v,
             b0, b1, b2, b3, s0, s1, s2, s3):
    wid = lax.axis_index("s") * _NC + lax.axis_index("c")
    base = wid * _RPW
    iota16 = lax.iota(jnp.int32, _L)
    ring = ((b0, s0), (b1, s1), (b2, s2), (b3, s3))
    _NB = len(ring)

    pltpu.sync_copy(tgt_hbm.at[pl.ds(base, _RPW)], tgt_v)

    for k, (bf, sm) in enumerate(ring):
        pltpu.make_async_copy(x2d_hbm.at[base + k, pl.ds(_CS, _CW)], bf, sm).start()

    def row_sum(bf):
        def it_body(it, accs):
            a0, a1, a2, a3 = accs
            o = it * 128
            a0 = a0 + bf[pl.ds(o, _L)] + bf[pl.ds(o + 64, _L)]
            a1 = a1 + bf[pl.ds(o + 16, _L)] + bf[pl.ds(o + 80, _L)]
            a2 = a2 + bf[pl.ds(o + 32, _L)] + bf[pl.ds(o + 96, _L)]
            a3 = a3 + bf[pl.ds(o + 48, _L)] + bf[pl.ds(o + 112, _L)]
            return a0, a1, a2, a3
        z = jnp.zeros((_L,), jnp.float32)
        a0, a1, a2, a3 = lax.fori_loop(0, _CW // 128, it_body, (z, z, z, z))
        return jnp.sum((a0 + a1) + (a2 + a3))

    def group(p, gacc16):
        for k, (bf, sm) in enumerate(ring):
            r = _NB * p + k
            pltpu.make_async_copy(x2d_hbm.at[0, pl.ds(_CS, _CW)], bf, sm).wait()
            s = row_sum(bf)
            rl = r & 15
            b16 = r - rl
            tgt16 = tgt_v[pl.ds(b16, _L)]
            t_r = jnp.sum(jnp.where(iota16 == rl, tgt16, 0))
            inb = t_r >= _CS
            idx16 = iota16 * 0 + jnp.where(inb, t_r - _CS, 0)
            gat16 = plsc.load_gather(bf, [idx16])
            gacc16 = gacc16 + jnp.where((iota16 == 0) & inb, gat16, 0.0)
            old = rv_v[pl.ds(b16, _L)]
            rv_v[pl.ds(b16, _L)] = jnp.where(iota16 == rl, s, old)

            @pl.when(r + _NB < _RPW)
            def _next():
                pltpu.make_async_copy(
                    x2d_hbm.at[base + r + _NB, pl.ds(_CS, _CW)], bf, sm
                ).start()
        return gacc16

    gacc16 = lax.fori_loop(
        0, _RPW // _NB, group, jnp.zeros((_L,), jnp.float32)
    )

    total16 = (_OFF - _ON) * gacc16
    for g in range(_RPW // _L):
        t16 = tgt_v[pl.ds(g * _L, _L)]
        valid = t16 != 0
        rv16 = rv_v[pl.ds(g * _L, _L)]
        total16 = total16 + jnp.where(valid, -_OFF * rv16, 0.0)
    part_v[...] = total16
    pltpu.sync_copy(part_v, out_hbm.at[wid])


def _sc_loss(x, target):
    mesh = plsc.VectorSubcoreMesh(
        core_axis_name="c", subcore_axis_name="s", num_cores=_NC, num_subcores=_NS
    )
    return pl.kernel(
        _sc_body,
        out_type=jax.ShapeDtypeStruct((_NW, _L), jnp.float32),
        mesh=mesh,
        compiler_params=pltpu.CompilerParams(needs_layout_passes=False),
        scratch_types=[
            pltpu.VMEM((_RPW,), jnp.int32),
            pltpu.VMEM((_RPW,), jnp.float32),
            pltpu.VMEM((_L,), jnp.float32),
            pltpu.VMEM((_CW,), jnp.float32),
            pltpu.VMEM((_CW,), jnp.float32),
            pltpu.VMEM((_CW,), jnp.float32),
            pltpu.VMEM((_CW,), jnp.float32),
            pltpu.SemaphoreType.DMA,
            pltpu.SemaphoreType.DMA,
            pltpu.SemaphoreType.DMA,
            pltpu.SemaphoreType.DMA,
        ],
    )(x, target)


def _tc_body(x_ref, tgt_ref, out_ref):
    i = pl.program_id(0)
    j = pl.program_id(1)

    @pl.when((i == 0) & (j == 0))
    def _init():
        out_ref[0, 0] = 0.0

    tgt2 = tgt_ref[i, :, :]
    valid2 = tgt2 != 0
    xb = x_ref[...]
    rs2 = jnp.sum(xb, axis=1, keepdims=True)
    acc = -_OFF * jnp.sum(jnp.where(valid2, rs2, 0.0))

    cols = j * _BC + lax.broadcasted_iota(jnp.int32, (_BR, _BC), 1)
    match = (tgt2 == cols) & valid2
    acc += (_OFF - _ON) * jnp.sum(jnp.where(match, xb, 0.0))

    @pl.when(j == 0)
    def _col0_and_const():
        col0 = xb[:, 0:1]
        out_ref[0, 0] += _OFF * jnp.sum(
            jnp.where(valid2, col0, 0.0)
        ) + _C0 * jnp.sum(jnp.where(valid2, 1.0, 0.0))

    out_ref[0, 0] += acc


def _tc_reduce(x, tgt3d):
    return pl.pallas_call(
        _tc_body,
        grid=(_NRB, _NCB),
        in_specs=[
            pl.BlockSpec((_BR, _BC), lambda i, j: (i, j)),
            pl.BlockSpec((_NRB, _BR, 1), lambda i, j: (0, 0, 0)),
        ],
        out_specs=pl.BlockSpec((1, 1), lambda i, j: (0, 0), memory_space=pltpu.SMEM),
        out_shape=jax.ShapeDtypeStruct((1, 1), jnp.float32),
        compiler_params=pltpu.CompilerParams(
            dimension_semantics=("arbitrary", "arbitrary")
        ),
    )(x, tgt3d)


@jax.jit
def kernel(x, target):
    target = target.astype(jnp.int32)
    sc_parts = _sc_loss(x, target)
    tgt3d = jnp.reshape(target, (_NRB, _BR, 1))
    out = _tc_reduce(x, tgt3d)
    return out[0, 0] + jnp.sum(sc_parts)

# --- scband reference (transcript-rebuilt; emitter-appended) ---
"""Pipeline reference for scband-label-smoothing-14551349199280 (READ-ONLY COPY).

The authoritative reference and input builder live on the scoring server;
editing this copy changes nothing except your own understanding.
"""

import jax, jax.numpy as jnp
import numpy as np

SMOOTHING = 0.1
SIZE = 32000
PADDING_IDX = 0
OFF_PROB = SMOOTHING / (SIZE - 2)
ON_PROB = 1.0 - SMOOTHING


def setup_inputs(seed: int = 0) -> dict:
    key = jax.random.key(seed)
    k1, k2 = jax.random.split(key)
    x = jax.random.normal(k1, (4096, 32000), dtype=jnp.float32)
    target = jax.random.randint(k2, (4096,), 0, 32000, dtype=jnp.int64 if jax.config.jax_enable_x64 else jnp.int32)
    return {"x": x, "target": target}


def reference(x, target):
    # x: [B, V] assumed to be log-probabilities (KLDivLoss convention)
    B = x.shape[0]
    # target distribution: filled with off_prob everywhere
    target_dist = jnp.full_like(x, OFF_PROB)
    # scatter on_prob at the target class per row
    target_dist = target_dist.at[jnp.arange(B), target].set(ON_PROB)
    # zero out the padding column
    target_dist = target_dist.at[:, PADDING_IDX].set(0.0)
    # select rows where target != padding_idx (equivalently mask them out of the sum)
    row_mask = (target != PADDING_IDX)
    # KLDivLoss(reduction='sum') with log-input x: sum t * (log t - x), with t*log(t)=0 at t=0
    safe_td = jnp.where(target_dist > 0, target_dist, 1.0)
    t_log_t = jnp.where(target_dist > 0, target_dist * jnp.log(safe_td), 0.0)
    per_elem = t_log_t - target_dist * x
    loss = jnp.sum(jnp.where(row_mask[:, None], per_elem, 0.0))
    return loss

if __name__ == "__main__":
    import jax
    _d = setup_inputs()
    print(jax.jit(kernel)(*tuple(_d.values())))

</pallas_src>

<mosaic_0001>
#map = affine_map<(d0, d1) -> (0, 0)>
#map1 = affine_map<(d0, d1) -> (0)>
module attributes {stable_mosaic.version = 14 : i64} {
  func.func @_sc_body(%arg0: i32, %arg1: i32, %arg2: memref<4096x32000xf32, #tpu.memory_space<hbm>>, %arg3: memref<4096xi32, #tpu.memory_space<hbm>>, %arg4: memref<32x16xf32, #tpu.memory_space<hbm>>, %arg5: memref<128xi32, #tpu.memory_space<vmem>>, %arg6: memref<128xf32, #tpu.memory_space<vmem>>, %arg7: memref<16xf32, #tpu.memory_space<vmem>>, %arg8: memref<16000xf32, #tpu.memory_space<vmem>>, %arg9: memref<16000xf32, #tpu.memory_space<vmem>>, %arg10: memref<16000xf32, #tpu.memory_space<vmem>>, %arg11: memref<16000xf32, #tpu.memory_space<vmem>>, %arg12: memref<!tpu.dma_semaphore, #tpu.memory_space<semaphore_mem>>, %arg13: memref<!tpu.dma_semaphore, #tpu.memory_space<semaphore_mem>>, %arg14: memref<!tpu.dma_semaphore, #tpu.memory_space<semaphore_mem>>, %arg15: memref<!tpu.dma_semaphore, #tpu.memory_space<semaphore_mem>>) attributes {dimension_semantics = [#tpu.dimension_semantics<core_parallel>, #tpu.dimension_semantics<subcore_parallel>], iteration_bounds = array<i64: 2, 16>, scalar_prefetch = 0 : i64, scratch_operands = 11 : i64, tpu.core_type = #tpu.core_type<sc_vector_subcore>, window_params = [{transform_indices = #map}, {transform_indices = #map1}, {transform_indices = #map}]} {
    %mul3A = arith.constant 2 : i32
    %mul3A_0 = arith.muli %arg1, %mul3A : i32
    %add3A = arith.addi %mul3A_0, %arg0 : i32
    %mul3A_1 = arith.constant 128 : i32
    %mul3A_2 = arith.muli %add3A, %mul3A_1 : i32
    %iota3A = tpu.iota {dimensions = array<i32: 0>} : vector<16xi32>
    "tpu.region"() ({
      %run_scoped3A = tpu.sem_alloc : memref<!tpu.dma_semaphore, #tpu.memory_space<semaphore_mem>>
      %dma_start3A_152 = tpu.memref_slice %arg3[%mul3A_2] : memref<4096xi32, #tpu.memory_space<hbm>> -> memref<128xi32, #tpu.memory_space<hbm>>
      %dma_start3A_153 = tpu.memref_slice %arg3[%mul3A_2] : memref<4096xi32, #tpu.memory_space<hbm>> -> memref<128xi32, #tpu.memory_space<hbm>>
      tpu.enqueue_dma source(%dma_start3A_153 : memref<128xi32, #tpu.memory_space<hbm>>) target(%arg5 : memref<128xi32, #tpu.memory_space<vmem>>) target_semaphore(%run_scoped3A : memref<!tpu.dma_semaphore, #tpu.memory_space<semaphore_mem>>)
      %dma_wait3A = tpu.memref_slice %arg3[%mul3A_2] : memref<4096xi32, #tpu.memory_space<hbm>> -> memref<128xi32, #tpu.memory_space<hbm>>
      %dma_wait3A_154 = tpu.memref_slice %arg3[%mul3A_2] : memref<4096xi32, #tpu.memory_space<hbm>> -> memref<128xi32, #tpu.memory_space<hbm>>
      tpu.wait_dma2 semaphore(%run_scoped3A : memref<!tpu.dma_semaphore, #tpu.memory_space<semaphore_mem>>) src(%dma_wait3A_154 : memref<128xi32, #tpu.memory_space<hbm>>) dst(%arg5 : memref<128xi32, #tpu.memory_space<vmem>>)
      tpu.yield
    }) : () -> ()
    %add3A_3 = arith.constant 0 : i32
    %add3A_4 = arith.addi %mul3A_2, %add3A_3 : i32
    %dma_start3A = arith.constant 16000 : i32
    %dma_start3A_5 = tpu.memref_slice %arg2[%add3A_4, %dma_start3A] : memref<4096x32000xf32, #tpu.memory_space<hbm>> -> memref<1x16000xf32, #tpu.memory_space<hbm>>
    %dma_start3A_6 = tpu.memref_squeeze %dma_start3A_5 : memref<1x16000xf32, #tpu.memory_space<hbm>> -> memref<16000xf32, #tpu.memory_space<hbm>>
    %dma_start3A_7 = arith.constant 16000 : i32
    %dma_start3A_8 = tpu.memref_slice %arg2[%add3A_4, %dma_start3A_7] : memref<4096x32000xf32, #tpu.memory_space<hbm>> -> memref<1x16000xf32, #tpu.memory_space<hbm>>
    %dma_start3A_9 = tpu.memref_squeeze %dma_start3A_8 : memref<1x16000xf32, #tpu.memory_space<hbm>> -> memref<16000xf32, #tpu.memory_space<hbm>>
    tpu.enqueue_dma source(%dma_start3A_9 : memref<16000xf32, #tpu.memory_space<hbm>>) target(%arg8 : memref<16000xf32, #tpu.memory_space<vmem>>) target_semaphore(%arg12 : memref<!tpu.dma_semaphore, #tpu.memory_space<semaphore_mem>>)
    %add3A_10 = arith.constant 1 : i32
    %add3A_11 = arith.addi %mul3A_2, %add3A_10 : i32
    %dma_start3A_12 = arith.constant 16000 : i32
    %dma_start3A_13 = tpu.memref_slice %arg2[%add3A_11, %dma_start3A_12] : memref<4096x32000xf32, #tpu.memory_space<hbm>> -> memref<1x16000xf32, #tpu.memory_space<hbm>>
    %dma_start3A_14 = tpu.memref_squeeze %dma_start3A_13 : memref<1x16000xf32, #tpu.memory_space<hbm>> -> memref<16000xf32, #tpu.memory_space<hbm>>
    %dma_start3A_15 = arith.constant 16000 : i32
    %dma_start3A_16 = tpu.memref_slice %arg2[%add3A_11, %dma_start3A_15] : memref<4096x32000xf32, #tpu.memory_space<hbm>> -> memref<1x16000xf32, #tpu.memory_space<hbm>>
    %dma_start3A_17 = tpu.memref_squeeze %dma_start3A_16 : memref<1x16000xf32, #tpu.memory_space<hbm>> -> memref<16000xf32, #tpu.memory_space<hbm>>
    tpu.enqueue_dma source(%dma_start3A_17 : memref<16000xf32, #tpu.memory_space<hbm>>) target(%arg9 : memref<16000xf32, #tpu.memory_space<vmem>>) target_semaphore(%arg13 : memref<!tpu.dma_semaphore, #tpu.memory_space<semaphore_mem>>)
    %add3A_18 = arith.constant 2 : i32
    %add3A_19 = arith.addi %mul3A_2, %add3A_18 : i32
    %dma_start3A_20 = arith.constant 16000 : i32
    %dma_start3A_21 = tpu.memref_slice %arg2[%add3A_19, %dma_start3A_20] : memref<4096x32000xf32, #tpu.memory_space<hbm>> -> memref<1x16000xf32, #tpu.memory_space<hbm>>
    %dma_start3A_22 = tpu.memref_squeeze %dma_start3A_21 : memref<1x16000xf32, #tpu.memory_space<hbm>> -> memref<16000xf32, #tpu.memory_space<hbm>>
    %dma_start3A_23 = arith.constant 16000 : i32
    %dma_start3A_24 = tpu.memref_slice %arg2[%add3A_19, %dma_start3A_23] : memref<4096x32000xf32, #tpu.memory_space<hbm>> -> memref<1x16000xf32, #tpu.memory_space<hbm>>
    %dma_start3A_25 = tpu.memref_squeeze %dma_start3A_24 : memref<1x16000xf32, #tpu.memory_space<hbm>> -> memref<16000xf32, #tpu.memory_space<hbm>>
    tpu.enqueue_dma source(%dma_start3A_25 : memref<16000xf32, #tpu.memory_space<hbm>>) target(%arg10 : memref<16000xf32, #tpu.memory_space<vmem>>) target_semaphore(%arg14 : memref<!tpu.dma_semaphore, #tpu.memory_space<semaphore_mem>>)
    %add3A_26 = arith.constant 3 : i32
    %add3A_27 = arith.addi %mul3A_2, %add3A_26 : i32
    %dma_start3A_28 = arith.constant 16000 : i32
    %dma_start3A_29 = tpu.memref_slice %arg2[%add3A_27, %dma_start3A_28] : memref<4096x32000xf32, #tpu.memory_space<hbm>> -> memref<1x16000xf32, #tpu.memory_space<hbm>>
    %dma_start3A_30 = tpu.memref_squeeze %dma_start3A_29 : memref<1x16000xf32, #tpu.memory_space<hbm>> -> memref<16000xf32, #tpu.memory_space<hbm>>
    %dma_start3A_31 = arith.constant 16000 : i32
    %dma_start3A_32 = tpu.memref_slice %arg2[%add3A_27, %dma_start3A_31] : memref<4096x32000xf32, #tpu.memory_space<hbm>> -> memref<1x16000xf32, #tpu.memory_space<hbm>>
    %dma_start3A_33 = tpu.memref_squeeze %dma_start3A_32 : memref<1x16000xf32, #tpu.memory_space<hbm>> -> memref<16000xf32, #tpu.memory_space<hbm>>
    tpu.enqueue_dma source(%dma_start3A_33 : memref<16000xf32, #tpu.memory_space<hbm>>) target(%arg11 : memref<16000xf32, #tpu.memory_space<vmem>>) target_semaphore(%arg15 : memref<!tpu.dma_semaphore, #tpu.memory_space<semaphore_mem>>)
    %broadcast_in_dim3A = arith.constant 0.000000e+00 : f32
    %broadcast_in_dim3A_34 = vector.broadcast %broadcast_in_dim3A : f32 to vector<16xf32>
    %scan3A = arith.constant 0 : i32
    %scan3A_35 = arith.constant 32 : i32
    %scan3A_36 = arith.addi %scan3A, %scan3A_35 : i32
    %scan3A_37 = arith.constant 1 : i32
    %scan3A_38 = scf.for %scan3A_152 = %scan3A to %scan3A_36 step %scan3A_37 iter_args(%scan3A_153 = %broadcast_in_dim3A_34) -> (vector<16xf32>)  : i32 {
      %mul3A_154 = arith.constant 4 : i32
      %mul3A_155 = arith.muli %mul3A_154, %scan3A_152 : i32
      %add3A_156 = arith.constant 0 : i32
      %add3A_157 = arith.addi %mul3A_155, %add3A_156 : i32
      %dma_wait3A = arith.constant 0 : i32
      %dma_wait3A_158 = arith.constant 16000 : i32
      %dma_wait3A_159 = tpu.memref_slice %arg2[%dma_wait3A, %dma_wait3A_158] : memref<4096x32000xf32, #tpu.memory_space<hbm>> -> memref<1x16000xf32, #tpu.memory_space<hbm>>
      %dma_wait3A_160 = tpu.memref_squeeze %dma_wait3A_159 : memref<1x16000xf32, #tpu.memory_space<hbm>> -> memref<16000xf32, #tpu.memory_space<hbm>>
      %dma_wait3A_161 = arith.constant 16000 : i32
      %dma_wait3A_162 = tpu.memref_slice %arg2[%dma_wait3A, %dma_wait3A_161] : memref<4096x32000xf32, #tpu.memory_space<hbm>> -> memref<1x16000xf32, #tpu.memory_space<hbm>>
      %dma_wait3A_163 = tpu.memref_squeeze %dma_wait3A_162 : memref<1x16000xf32, #tpu.memory_space<hbm>> -> memref<16000xf32, #tpu.memory_space<hbm>>
      tpu.wait_dma2 semaphore(%arg12 : memref<!tpu.dma_semaphore, #tpu.memory_space<semaphore_mem>>) src(%dma_wait3A_163 : memref<16000xf32, #tpu.memory_space<hbm>>) dst(%arg8 : memref<16000xf32, #tpu.memory_space<vmem>>)
      %broadcast_in_dim3A_164 = arith.constant 0.000000e+00 : f32
      %broadcast_in_dim3A_165 = vector.broadcast %broadcast_in_dim3A_164 : f32 to vector<16xf32>
      %scan3A_166 = arith.constant 0 : i32
      %scan3A_167 = arith.constant 125 : i32
      %scan3A_168 = arith.addi %scan3A_166, %scan3A_167 : i32
      %scan3A_169 = arith.constant 1 : i32
      %scan3A_170:4 = scf.for %scan3A_448 = %scan3A_166 to %scan3A_168 step %scan3A_169 iter_args(%scan3A_449 = %broadcast_in_dim3A_165, %scan3A_450 = %broadcast_in_dim3A_165, %scan3A_451 = %broadcast_in_dim3A_165, %scan3A_452 = %broadcast_in_dim3A_165) -> (vector<16xf32>, vector<16xf32>, vector<16xf32>, vector<16xf32>)  : i32 {
        %mul3A_453 = arith.constant 128 : i32
        %mul3A_454 = arith.muli %scan3A_448, %mul3A_453 : i32
        %get3A_455 = arith.index_cast %mul3A_454 : i32 to index
        %get3A_456 = tpu.vector_load %arg8[%get3A_455] {strides = array<i32>} : memref<16000xf32, #tpu.memory_space<vmem>>, vector<16xf32>,
        %add3A_457 = arith.addf %scan3A_449, %get3A_456 : vector<16xf32>
        %add3A_458 = arith.constant 64 : i32
        %add3A_459 = arith.addi %mul3A_454, %add3A_458 : i32
        %get3A_460 = arith.index_cast %add3A_459 : i32 to index
        %get3A_461 = tpu.vector_load %arg8[%get3A_460] {strides = array<i32>} : memref<16000xf32, #tpu.memory_space<vmem>>, vector<16xf32>,
        %add3A_462 = arith.addf %add3A_457, %get3A_461 : vector<16xf32>
        %add3A_463 = arith.constant 16 : i32
        %add3A_464 = arith.addi %mul3A_454, %add3A_463 : i32
        %get3A_465 = arith.index_cast %add3A_464 : i32 to index
        %get3A_466 = tpu.vector_load %arg8[%get3A_465] {strides = array<i32>} : memref<16000xf32, #tpu.memory_space<vmem>>, vector<16xf32>,
        %add3A_467 = arith.addf %scan3A_450, %get3A_466 : vector<16xf32>
        %add3A_468 = arith.constant 80 : i32
        %add3A_469 = arith.addi %mul3A_454, %add3A_468 : i32
        %get3A_470 = arith.index_cast %add3A_469 : i32 to index
        %get3A_471 = tpu.vector_load %arg8[%get3A_470] {strides = array<i32>} : memref<16000xf32, #tpu.memory_space<vmem>>, vector<16xf32>,
        %add3A_472 = arith.addf %add3A_467, %get3A_471 : vector<16xf32>
        %add3A_473 = arith.constant 32 : i32
        %add3A_474 = arith.addi %mul3A_454, %add3A_473 : i32
        %get3A_475 = arith.index_cast %add3A_474 : i32 to index
        %get3A_476 = tpu.vector_load %arg8[%get3A_475] {strides = array<i32>} : memref<16000xf32, #tpu.memory_space<vmem>>, vector<16xf32>,
        %add3A_477 = arith.addf %scan3A_451, %get3A_476 : vector<16xf32>
        %add3A_478 = arith.constant 96 : i32
        %add3A_479 = arith.addi %mul3A_454, %add3A_478 : i32
        %get3A_480 = arith.index_cast %add3A_479 : i32 to index
        %get3A_481 = tpu.vector_load %arg8[%get3A_480] {strides = array<i32>} : memref<16000xf32, #tpu.memory_space<vmem>>, vector<16xf32>,
        %add3A_482 = arith.addf %add3A_477, %get3A_481 : vector<16xf32>
        %add3A_483 = arith.constant 48 : i32
        %add3A_484 = arith.addi %mul3A_454, %add3A_483 : i32
        %get3A_485 = arith.index_cast %add3A_484 : i32 to index
        %get3A_486 = tpu.vector_load %arg8[%get3A_485] {strides = array<i32>} : memref<16000xf32, #tpu.memory_space<vmem>>, vector<16xf32>,
        %add3A_487 = arith.addf %scan3A_452, %get3A_486 : vector<16xf32>
        %add3A_488 = arith.constant 112 : i32
        %add3A_489 = arith.addi %mul3A_454, %add3A_488 : i32
        %get3A_490 = arith.index_cast %add3A_489 : i32 to index
        %get3A_491 = tpu.vector_load %arg8[%get3A_490] {strides = array<i32>} : memref<16000xf32, #tpu.memory_space<vmem>>, vector<16xf32>,
        %add3A_492 = arith.addf %add3A_487, %get3A_491 : vector<16xf32>
        scf.yield %add3A_462, %add3A_472, %add3A_482, %add3A_492 : vector<16xf32>, vector<16xf32>, vector<16xf32>, vector<16xf32>
      }
      %scan3A_171 = arith.constant 125 : i32
      %add3A_172 = arith.addf %scan3A_170#0, %scan3A_170#1 : vector<16xf32>
      %add3A_173 = arith.addf %scan3A_170#2, %scan3A_170#3 : vector<16xf32>
      %add3A_174 = arith.addf %add3A_172, %add3A_173 : vector<16xf32>
      %reduce_sum3A = arith.constant true
      %reduce_sum3A_175 = vector.broadcast %reduce_sum3A : i1 to vector<16xi1>
      %reduce_sum3A_176 = tpu.scan <sum>, %add3A_174 masked %reduce_sum3A_175 : vector<16xf32>, vector<16xi1> -> vector<16xf32>
      %reduce_sum3A_177 = vector.extract %reduce_sum3A_176[15] : f32 from vector<16xf32>
      %and3A = arith.constant 15 : i32
      %and3A_178 = arith.andi %add3A_157, %and3A : i32
      %sub3A = arith.subi %add3A_157, %and3A_178 : i32
      %get3A_179 = arith.index_cast %sub3A : i32 to index
      %get3A_180 = tpu.vector_load %arg5[%get3A_179] {strides = array<i32>} : memref<128xi32, #tpu.memory_space<vmem>>, vector<16xi32>,
      %eq3A = vector.broadcast %and3A_178 : i32 to vector<16xi32>
      %eq3A_181 = arith.cmpi eq, %iota3A, %eq3A : vector<16xi32>
      %jit3A_182 = arith.constant 0 : i32
      %broadcast_in_dim3A_183 = vector.broadcast %jit3A_182 : i32 to vector<16xi32>
      %select_n3A_184 = arith.select %eq3A_181, %get3A_180, %broadcast_in_dim3A_183 : vector<16xi1>, vector<16xi32>
      %reduce_sum3A_185 = arith.constant true
      %reduce_sum3A_186 = vector.broadcast %reduce_sum3A_185 : i1 to vector<16xi1>
      %reduce_sum3A_187 = tpu.scan <sum>, %select_n3A_184 masked %reduce_sum3A_186 : vector<16xi32>, vector<16xi1> -> vector<16xi32>
      %reduce_sum3A_188 = vector.extract %reduce_sum3A_187[15] : i32 from vector<16xi32>
      %ge3A = arith.constant 16000 : i32
      %ge3A_189 = arith.cmpi sge, %reduce_sum3A_188, %ge3A : i32
      %mul3A_190 = arith.constant 0 : i32
      %mul3A_191 = vector.broadcast %mul3A_190 : i32 to vector<16xi32>
      %mul3A_192 = arith.muli %iota3A, %mul3A_191 : vector<16xi32>
      %sub3A_193 = arith.constant 16000 : i32
      %sub3A_194 = arith.subi %reduce_sum3A_188, %sub3A_193 : i32
      %jit3A_195 = arith.constant 0 : i32
      %select_n3A_196 = arith.select %ge3A_189, %sub3A_194, %jit3A_195 : i32
      %add3A_197 = vector.broadcast %select_n3A_196 : i32 to vector<16xi32>
      %add3A_198 = arith.addi %mul3A_192, %add3A_197 : vector<16xi32>
      %gather3A = tpu.vector_load_idx %arg8[%add3A_198] : memref<16000xf32, #tpu.memory_space<vmem>>[vector<16xi32>], vector<16xf32>,
      %eq3A_199 = arith.constant 0 : i32
      %eq3A_200 = vector.broadcast %eq3A_199 : i32 to vector<16xi32>
      %eq3A_201 = arith.cmpi eq, %iota3A, %eq3A_200 : vector<16xi32>
      %and3A_202 = vector.broadcast %ge3A_189 : i1 to vector<16xi1>
      %and3A_203 = arith.andi %eq3A_201, %and3A_202 : vector<16xi1>
      %jit3A_204 = arith.constant 0.000000e+00 : f32
      %broadcast_in_dim3A_205 = vector.broadcast %jit3A_204 : f32 to vector<16xf32>
      %select_n3A_206 = arith.select %and3A_203, %gather3A, %broadcast_in_dim3A_205 : vector<16xi1>, vector<16xf32>
      %add3A_207 = arith.addf %scan3A_153, %select_n3A_206 : vector<16xf32>
      %get3A_208 = arith.index_cast %sub3A : i32 to index
      %get3A_209 = tpu.vector_load %arg6[%get3A_208] {strides = array<i32>} : memref<128xf32, #tpu.memory_space<vmem>>, vector<16xf32>,
      %eq3A_210 = vector.broadcast %and3A_178 : i32 to vector<16xi32>
      %eq3A_211 = arith.cmpi eq, %iota3A, %eq3A_210 : vector<16xi32>
      %broadcast_in_dim3A_212 = vector.broadcast %reduce_sum3A_177 : f32 to vector<16xf32>
      %select_n3A_213 = arith.select %eq3A_211, %broadcast_in_dim3A_212, %get3A_209 : vector<16xi1>, vector<16xf32>
      %swap3A_214 = arith.index_cast %sub3A : i32 to index
      %swap3A_215 = tpu.vector_load %arg6[%swap3A_214] {strides = array<i32>} : memref<128xf32, #tpu.memory_space<vmem>>, vector<16xf32>,
      tpu.vector_store %arg6[%swap3A_214], %select_n3A_213 {strides = array<i32>} : memref<128xf32, #tpu.memory_space<vmem>>, vector<16xf32>,
      %add3A_216 = arith.constant 4 : i32
      %add3A_217 = arith.addi %add3A_157, %add3A_216 : i32
      %lt3A = arith.constant 128 : i32
      %lt3A_218 = arith.cmpi slt, %add3A_217, %lt3A : i32
      %convert_element_type3A = arith.extui %lt3A_218 : i1 to i32
      %cond3A = arith.constant 0 : i32
      %cond3A_219 = arith.cmpi ne, %convert_element_type3A, %cond3A : i32
      scf.if %cond3A_219 {
        %add3A_448 = arith.addi %mul3A_2, %add3A_157 : i32
        %add3A_449 = arith.constant 4 : i32
        %add3A_450 = arith.addi %add3A_448, %add3A_449 : i32
        %dma_start3A_451 = arith.constant 16000 : i32
        %dma_start3A_452 = tpu.memref_slice %arg2[%add3A_450, %dma_start3A_451] : memref<4096x32000xf32, #tpu.memory_space<hbm>> -> memref<1x16000xf32, #tpu.memory_space<hbm>>
        %dma_start3A_453 = tpu.memref_squeeze %dma_start3A_452 : memref<1x16000xf32, #tpu.memory_space<hbm>> -> memref<16000xf32, #tpu.memory_space<hbm>>
        %dma_start3A_454 = arith.constant 16000 : i32
        %dma_start3A_455 = tpu.memref_slice %arg2[%add3A_450, %dma_start3A_454] : memref<4096x32000xf32, #tpu.memory_space<hbm>> -> memref<1x16000xf32, #tpu.memory_space<hbm>>
        %dma_start3A_456 = tpu.memref_squeeze %dma_start3A_455 : memref<1x16000xf32, #tpu.memory_space<hbm>> -> memref<16000xf32, #tpu.memory_space<hbm>>
        tpu.enqueue_dma source(%dma_start3A_456 : memref<16000xf32, #tpu.memory_space<hbm>>) target(%arg8 : memref<16000xf32, #tpu.memory_space<vmem>>) target_semaphore(%arg12 : memref<!tpu.dma_semaphore, #tpu.memory_space<semaphore_mem>>)
      } else {
      }
      %mul3A_220 = arith.constant 4 : i32
      %mul3A_221 = arith.muli %mul3A_220, %scan3A_152 : i32
      %add3A_222 = arith.constant 1 : i32
      %add3A_223 = arith.addi %mul3A_221, %add3A_222 : i32
      %dma_wait3A_224 = arith.constant 0 : i32
      %dma_wait3A_225 = arith.constant 16000 : i32
      %dma_wait3A_226 = tpu.memref_slice %arg2[%dma_wait3A_224, %dma_wait3A_225] : memref<4096x32000xf32, #tpu.memory_space<hbm>> -> memref<1x16000xf32, #tpu.memory_space<hbm>>
      %dma_wait3A_227 = tpu.memref_squeeze %dma_wait3A_226 : memref<1x16000xf32, #tpu.memory_space<hbm>> -> memref<16000xf32, #tpu.memory_space<hbm>>
      %dma_wait3A_228 = arith.constant 16000 : i32
      %dma_wait3A_229 = tpu.memref_slice %arg2[%dma_wait3A_224, %dma_wait3A_228] : memref<4096x32000xf32, #tpu.memory_space<hbm>> -> memref<1x16000xf32, #tpu.memory_space<hbm>>
      %dma_wait3A_230 = tpu.memref_squeeze %dma_wait3A_229 : memref<1x16000xf32, #tpu.memory_space<hbm>> -> memref<16000xf32, #tpu.memory_space<hbm>>
      tpu.wait_dma2 semaphore(%arg13 : memref<!tpu.dma_semaphore, #tpu.memory_space<semaphore_mem>>) src(%dma_wait3A_230 : memref<16000xf32, #tpu.memory_space<hbm>>) dst(%arg9 : memref<16000xf32, #tpu.memory_space<vmem>>)
      %broadcast_in_dim3A_231 = arith.constant 0.000000e+00 : f32
      %broadcast_in_dim3A_232 = vector.broadcast %broadcast_in_dim3A_231 : f32 to vector<16xf32>
      %scan3A_233 = arith.constant 0 : i32
      %scan3A_234 = arith.constant 125 : i32
      %scan3A_235 = arith.addi %scan3A_233, %scan3A_234 : i32
      %scan3A_236 = arith.constant 1 : i32
      %scan3A_237:4 = scf.for %scan3A_448 = %scan3A_233 to %scan3A_235 step %scan3A_236 iter_args(%scan3A_449 = %broadcast_in_dim3A_232, %scan3A_450 = %broadcast_in_dim3A_232, %scan3A_451 = %broadcast_in_dim3A_232, %scan3A_452 = %broadcast_in_dim3A_232) -> (vector<16xf32>, vector<16xf32>, vector<16xf32>, vector<16xf32>)  : i32 {
        %mul3A_453 = arith.constant 128 : i32
        %mul3A_454 = arith.muli %scan3A_448, %mul3A_453 : i32
        %get3A_455 = arith.index_cast %mul3A_454 : i32 to index
        %get3A_456 = tpu.vector_load %arg9[%get3A_455] {strides = array<i32>} : memref<16000xf32, #tpu.memory_space<vmem>>, vector<16xf32>,
        %add3A_457 = arith.addf %scan3A_449, %get3A_456 : vector<16xf32>
        %add3A_458 = arith.constant 64 : i32
        %add3A_459 = arith.addi %mul3A_454, %add3A_458 : i32
        %get3A_460 = arith.index_cast %add3A_459 : i32 to index
        %get3A_461 = tpu.vector_load %arg9[%get3A_460] {strides = array<i32>} : memref<16000xf32, #tpu.memory_space<vmem>>, vector<16xf32>,
        %add3A_462 = arith.addf %add3A_457, %get3A_461 : vector<16xf32>
        %add3A_463 = arith.constant 16 : i32
        %add3A_464 = arith.addi %mul3A_454, %add3A_463 : i32
        %get3A_465 = arith.index_cast %add3A_464 : i32 to index
        %get3A_466 = tpu.vector_load %arg9[%get3A_465] {strides = array<i32>} : memref<16000xf32, #tpu.memory_space<vmem>>, vector<16xf32>,
        %add3A_467 = arith.addf %scan3A_450, %get3A_466 : vector<16xf32>
        %add3A_468 = arith.constant 80 : i32
        %add3A_469 = arith.addi %mul3A_454, %add3A_468 : i32
        %get3A_470 = arith.index_cast %add3A_469 : i32 to index
        %get3A_471 = tpu.vector_load %arg9[%get3A_470] {strides = array<i32>} : memref<16000xf32, #tpu.memory_space<vmem>>, vector<16xf32>,
        %add3A_472 = arith.addf %add3A_467, %get3A_471 : vector<16xf32>
        %add3A_473 = arith.constant 32 : i32
        %add3A_474 = arith.addi %mul3A_454, %add3A_473 : i32
        %get3A_475 = arith.index_cast %add3A_474 : i32 to index
        %get3A_476 = tpu.vector_load %arg9[%get3A_475] {strides = array<i32>} : memref<16000xf32, #tpu.memory_space<vmem>>, vector<16xf32>,
        %add3A_477 = arith.addf %scan3A_451, %get3A_476 : vector<16xf32>
        %add3A_478 = arith.constant 96 : i32
        %add3A_479 = arith.addi %mul3A_454, %add3A_478 : i32
        %get3A_480 = arith.index_cast %add3A_479 : i32 to index
        %get3A_481 = tpu.vector_load %arg9[%get3A_480] {strides = array<i32>} : memref<16000xf32, #tpu.memory_space<vmem>>, vector<16xf32>,
        %add3A_482 = arith.addf %add3A_477, %get3A_481 : vector<16xf32>
        %add3A_483 = arith.constant 48 : i32
        %add3A_484 = arith.addi %mul3A_454, %add3A_483 : i32
        %get3A_485 = arith.index_cast %add3A_484 : i32 to index
        %get3A_486 = tpu.vector_load %arg9[%get3A_485] {strides = array<i32>} : memref<16000xf32, #tpu.memory_space<vmem>>, vector<16xf32>,
        %add3A_487 = arith.addf %scan3A_452, %get3A_486 : vector<16xf32>
        %add3A_488 = arith.constant 112 : i32
        %add3A_489 = arith.addi %mul3A_454, %add3A_488 : i32
        %get3A_490 = arith.index_cast %add3A_489 : i32 to index
        %get3A_491 = tpu.vector_load %arg9[%get3A_490] {strides = array<i32>} : memref<16000xf32, #tpu.memory_space<vmem>>, vector<16xf32>,
        %add3A_492 = arith.addf %add3A_487, %get3A_491 : vector<16xf32>
        scf.yield %add3A_462, %add3A_472, %add3A_482, %add3A_492 : vector<16xf32>, vector<16xf32>, vector<16xf32>, vector<16xf32>
      }
      %scan3A_238 = arith.constant 125 : i32
      %add3A_239 = arith.addf %scan3A_237#0, %scan3A_237#1 : vector<16xf32>
      %add3A_240 = arith.addf %scan3A_237#2, %scan3A_237#3 : vector<16xf32>
      %add3A_241 = arith.addf %add3A_239, %add3A_240 : vector<16xf32>
      %reduce_sum3A_242 = arith.constant true
      %reduce_sum3A_243 = vector.broadcast %reduce_sum3A_242 : i1 to vector<16xi1>
      %reduce_sum3A_244 = tpu.scan <sum>, %add3A_241 masked %reduce_sum3A_243 : vector<16xf32>, vector<16xi1> -> vector<16xf32>
      %reduce_sum3A_245 = vector.extract %reduce_sum3A_244[15] : f32 from vector<16xf32>
      %and3A_246 = arith.constant 15 : i32
      %and3A_247 = arith.andi %add3A_223, %and3A_246 : i32
      %sub3A_248 = arith.subi %add3A_223, %and3A_247 : i32
      %get3A_249 = arith.index_cast %sub3A_248 : i32 to index
      %get3A_250 = tpu.vector_load %arg5[%get3A_249] {strides = array<i32>} : memref<128xi32, #tpu.memory_space<vmem>>, vector<16xi32>,
      %eq3A_251 = vector.broadcast %and3A_247 : i32 to vector<16xi32>
      %eq3A_252 = arith.cmpi eq, %iota3A, %eq3A_251 : vector<16xi32>
      %jit3A_253 = arith.constant 0 : i32
      %broadcast_in_dim3A_254 = vector.broadcast %jit3A_253 : i32 to vector<16xi32>
      %select_n3A_255 = arith.select %eq3A_252, %get3A_250, %broadcast_in_dim3A_254 : vector<16xi1>, vector<16xi32>
      %reduce_sum3A_256 = arith.constant true
      %reduce_sum3A_257 = vector.broadcast %reduce_sum3A_256 : i1 to vector<16xi1>
      %reduce_sum3A_258 = tpu.scan <sum>, %select_n3A_255 masked %reduce_sum3A_257 : vector<16xi32>, vector<16xi1> -> vector<16xi32>
      %reduce_sum3A_259 = vector.extract %reduce_sum3A_258[15] : i32 from vector<16xi32>
      %ge3A_260 = arith.constant 16000 : i32
      %ge3A_261 = arith.cmpi sge, %reduce_sum3A_259, %ge3A_260 : i32
      %mul3A_262 = arith.constant 0 : i32
      %mul3A_263 = vector.broadcast %mul3A_262 : i32 to vector<16xi32>
      %mul3A_264 = arith.muli %iota3A, %mul3A_263 : vector<16xi32>
      %sub3A_265 = arith.constant 16000 : i32
      %sub3A_266 = arith.subi %reduce_sum3A_259, %sub3A_265 : i32
      %jit3A_267 = arith.constant 0 : i32
      %select_n3A_268 = arith.select %ge3A_261, %sub3A_266, %jit3A_267 : i32
      %add3A_269 = vector.broadcast %select_n3A_268 : i32 to vector<16xi32>
      %add3A_270 = arith.addi %mul3A_264, %add3A_269 : vector<16xi32>
      %gather3A_271 = tpu.vector_load_idx %arg9[%add3A_270] : memref<16000xf32, #tpu.memory_space<vmem>>[vector<16xi32>], vector<16xf32>,
      %eq3A_272 = arith.constant 0 : i32
      %eq3A_273 = vector.broadcast %eq3A_272 : i32 to vector<16xi32>
      %eq3A_274 = arith.cmpi eq, %iota3A, %eq3A_273 : vector<16xi32>
      %and3A_275 = vector.broadcast %ge3A_261 : i1 to vector<16xi1>
      %and3A_276 = arith.andi %eq3A_274, %and3A_275 : vector<16xi1>
      %jit3A_277 = arith.constant 0.000000e+00 : f32
      %broadcast_in_dim3A_278 = vector.broadcast %jit3A_277 : f32 to vector<16xf32>
      %select_n3A_279 = arith.select %and3A_276, %gather3A_271, %broadcast_in_dim3A_278 : vector<16xi1>, vector<16xf32>
      %add3A_280 = arith.addf %add3A_207, %select_n3A_279 : vector<16xf32>
      %get3A_281 = arith.index_cast %sub3A_248 : i32 to index
      %get3A_282 = tpu.vector_load %arg6[%get3A_281] {strides = array<i32>} : memref<128xf32, #tpu.memory_space<vmem>>, vector<16xf32>,
      %eq3A_283 = vector.broadcast %and3A_247 : i32 to vector<16xi32>
      %eq3A_284 = arith.cmpi eq, %iota3A, %eq3A_283 : vector<16xi32>
      %broadcast_in_dim3A_285 = vector.broadcast %reduce_sum3A_245 : f32 to vector<16xf32>
      %select_n3A_286 = arith.select %eq3A_284, %broadcast_in_dim3A_285, %get3A_282 : vector<16xi1>, vector<16xf32>
      %swap3A_287 = arith.index_cast %sub3A_248 : i32 to index
      %swap3A_288 = tpu.vector_load %arg6[%swap3A_287] {strides = array<i32>} : memref<128xf32, #tpu.memory_space<vmem>>, vector<16xf32>,
      tpu.vector_store %arg6[%swap3A_287], %select_n3A_286 {strides = array<i32>} : memref<128xf32, #tpu.memory_space<vmem>>, vector<16xf32>,
      %add3A_289 = arith.constant 4 : i32
      %add3A_290 = arith.addi %add3A_223, %add3A_289 : i32
      %lt3A_291 = arith.constant 128 : i32
      %lt3A_292 = arith.cmpi slt, %add3A_290, %lt3A_291 : i32
      %convert_element_type3A_293 = arith.extui %lt3A_292 : i1 to i32
      %cond3A_294 = arith.constant 0 : i32
      %cond3A_295 = arith.cmpi ne, %convert_element_type3A_293, %cond3A_294 : i32
      scf.if %cond3A_295 {
        %add3A_448 = arith.addi %mul3A_2, %add3A_223 : i32
        %add3A_449 = arith.constant 4 : i32
        %add3A_450 = arith.addi %add3A_448, %add3A_449 : i32
        %dma_start3A_451 = arith.constant 16000 : i32
        %dma_start3A_452 = tpu.memref_slice %arg2[%add3A_450, %dma_start3A_451] : memref<4096x32000xf32, #tpu.memory_space<hbm>> -> memref<1x16000xf32, #tpu.memory_space<hbm>>
        %dma_start3A_453 = tpu.memref_squeeze %dma_start3A_452 : memref<1x16000xf32, #tpu.memory_space<hbm>> -> memref<16000xf32, #tpu.memory_space<hbm>>
        %dma_start3A_454 = arith.constant 16000 : i32
        %dma_start3A_455 = tpu.memref_slice %arg2[%add3A_450, %dma_start3A_454] : memref<4096x32000xf32, #tpu.memory_space<hbm>> -> memref<1x16000xf32, #tpu.memory_space<hbm>>
        %dma_start3A_456 = tpu.memref_squeeze %dma_start3A_455 : memref<1x16000xf32, #tpu.memory_space<hbm>> -> memref<16000xf32, #tpu.memory_space<hbm>>
        tpu.enqueue_dma source(%dma_start3A_456 : memref<16000xf32, #tpu.memory_space<hbm>>) target(%arg9 : memref<16000xf32, #tpu.memory_space<vmem>>) target_semaphore(%arg13 : memref<!tpu.dma_semaphore, #tpu.memory_space<semaphore_mem>>)
      } else {
      }
      %mul3A_296 = arith.constant 4 : i32
      %mul3A_297 = arith.muli %mul3A_296, %scan3A_152 : i32
      %add3A_298 = arith.constant 2 : i32
      %add3A_299 = arith.addi %mul3A_297, %add3A_298 : i32
      %dma_wait3A_300 = arith.constant 0 : i32
      %dma_wait3A_301 = arith.constant 16000 : i32
      %dma_wait3A_302 = tpu.memref_slice %arg2[%dma_wait3A_300, %dma_wait3A_301] : memref<4096x32000xf32, #tpu.memory_space<hbm>> -> memref<1x16000xf32, #tpu.memory_space<hbm>>
      %dma_wait3A_303 = tpu.memref_squeeze %dma_wait3A_302 : memref<1x16000xf32, #tpu.memory_space<hbm>> -> memref<16000xf32, #tpu.memory_space<hbm>>
      %dma_wait3A_304 = arith.constant 16000 : i32
      %dma_wait3A_305 = tpu.memref_slice %arg2[%dma_wait3A_300, %dma_wait3A_304] : memref<4096x32000xf32, #tpu.memory_space<hbm>> -> memref<1x16000xf32, #tpu.memory_space<hbm>>
      %dma_wait3A_306 = tpu.memref_squeeze %dma_wait3A_305 : memref<1x16000xf32, #tpu.memory_space<hbm>> -> memref<16000xf32, #tpu.memory_space<hbm>>
      tpu.wait_dma2 semaphore(%arg14 : memref<!tpu.dma_semaphore, #tpu.memory_space<semaphore_mem>>) src(%dma_wait3A_306 : memref<16000xf32, #tpu.memory_space<hbm>>) dst(%arg10 : memref<16000xf32, #tpu.memory_space<vmem>>)
      %broadcast_in_dim3A_307 = arith.constant 0.000000e+00 : f32
      %broadcast_in_dim3A_308 = vector.broadcast %broadcast_in_dim3A_307 : f32 to vector<16xf32>
      %scan3A_309 = arith.constant 0 : i32
      %scan3A_310 = arith.constant 125 : i32
      %scan3A_311 = arith.addi %scan3A_309, %scan3A_310 : i32
      %scan3A_312 = arith.constant 1 : i32
      %scan3A_313:4 = scf.for %scan3A_448 = %scan3A_309 to %scan3A_311 step %scan3A_312 iter_args(%scan3A_449 = %broadcast_in_dim3A_308, %scan3A_450 = %broadcast_in_dim3A_308, %scan3A_451 = %broadcast_in_dim3A_308, %scan3A_452 = %broadcast_in_dim3A_308) -> (vector<16xf32>, vector<16xf32>, vector<16xf32>, vector<16xf32>)  : i32 {
        %mul3A_453 = arith.constant 128 : i32
        %mul3A_454 = arith.muli %scan3A_448, %mul3A_453 : i32
        %get3A_455 = arith.index_cast %mul3A_454 : i32 to index
        %get3A_456 = tpu.vector_load %arg10[%get3A_455] {strides = array<i32>} : memref<16000xf32, #tpu.memory_space<vmem>>, vector<16xf32>,
        %add3A_457 = arith.addf %scan3A_449, %get3A_456 : vector<16xf32>
        %add3A_458 = arith.constant 64 : i32
        %add3A_459 = arith.addi %mul3A_454, %add3A_458 : i32
        %get3A_460 = arith.index_cast %add3A_459 : i32 to index
        %get3A_461 = tpu.vector_load %arg10[%get3A_460] {strides = array<i32>} : memref<16000xf32, #tpu.memory_space<vmem>>, vector<16xf32>,
        %add3A_462 = arith.addf %add3A_457, %get3A_461 : vector<16xf32>
        %add3A_463 = arith.constant 16 : i32
        %add3A_464 = arith.addi %mul3A_454, %add3A_463 : i32
        %get3A_465 = arith.index_cast %add3A_464 : i32 to index
        %get3A_466 = tpu.vector_load %arg10[%get3A_465] {strides = array<i32>} : memref<16000xf32, #tpu.memory_space<vmem>>, vector<16xf32>,
        %add3A_467 = arith.addf %scan3A_450, %get3A_466 : vector<16xf32>
        %add3A_468 = arith.constant 80 : i32
        %add3A_469 = arith.addi %mul3A_454, %add3A_468 : i32
        %get3A_470 = arith.index_cast %add3A_469 : i32 to index
        %get3A_471 = tpu.vector_load %arg10[%get3A_470] {strides = array<i32>} : memref<16000xf32, #tpu.memory_space<vmem>>, vector<16xf32>,
        %add3A_472 = arith.addf %add3A_467, %get3A_471 : vector<16xf32>
        %add3A_473 = arith.constant 32 : i32
        %add3A_474 = arith.addi %mul3A_454, %add3A_473 : i32
        %get3A_475 = arith.index_cast %add3A_474 : i32 to index
        %get3A_476 = tpu.vector_load %arg10[%get3A_475] {strides = array<i32>} : memref<16000xf32, #tpu.memory_space<vmem>>, vector<16xf32>,
        %add3A_477 = arith.addf %scan3A_451, %get3A_476 : vector<16xf32>
        %add3A_478 = arith.constant 96 : i32
        %add3A_479 = arith.addi %mul3A_454, %add3A_478 : i32
        %get3A_480 = arith.index_cast %add3A_479 : i32 to index
        %get3A_481 = tpu.vector_load %arg10[%get3A_480] {strides = array<i32>} : memref<16000xf32, #tpu.memory_space<vmem>>, vector<16xf32>,
        %add3A_482 = arith.addf %add3A_477, %get3A_481 : vector<16xf32>
        %add3A_483 = arith.constant 48 : i32
        %add3A_484 = arith.addi %mul3A_454, %add3A_483 : i32
        %get3A_485 = arith.index_cast %add3A_484 : i32 to index
        %get3A_486 = tpu.vector_load %arg10[%get3A_485] {strides = array<i32>} : memref<16000xf32, #tpu.memory_space<vmem>>, vector<16xf32>,
        %add3A_487 = arith.addf %scan3A_452, %get3A_486 : vector<16xf32>
        %add3A_488 = arith.constant 112 : i32
        %add3A_489 = arith.addi %mul3A_454, %add3A_488 : i32
        %get3A_490 = arith.index_cast %add3A_489 : i32 to index
        %get3A_491 = tpu.vector_load %arg10[%get3A_490] {strides = array<i32>} : memref<16000xf32, #tpu.memory_space<vmem>>, vector<16xf32>,
        %add3A_492 = arith.addf %add3A_487, %get3A_491 : vector<16xf32>
        scf.yield %add3A_462, %add3A_472, %add3A_482, %add3A_492 : vector<16xf32>, vector<16xf32>, vector<16xf32>, vector<16xf32>
      }
      %scan3A_314 = arith.constant 125 : i32
      %add3A_315 = arith.addf %scan3A_313#0, %scan3A_313#1 : vector<16xf32>
      %add3A_316 = arith.addf %scan3A_313#2, %scan3A_313#3 : vector<16xf32>
      %add3A_317 = arith.addf %add3A_315, %add3A_316 : vector<16xf32>
      %reduce_sum3A_318 = arith.constant true
      %reduce_sum3A_319 = vector.broadcast %reduce_sum3A_318 : i1 to vector<16xi1>
      %reduce_sum3A_320 = tpu.scan <sum>, %add3A_317 masked %reduce_sum3A_319 : vector<16xf32>, vector<16xi1> -> vector<16xf32>
      %reduce_sum3A_321 = vector.extract %reduce_sum3A_320[15] : f32 from vector<16xf32>
      %and3A_322 = arith.constant 15 : i32
      %and3A_323 = arith.andi %add3A_299, %and3A_322 : i32
      %sub3A_324 = arith.subi %add3A_299, %and3A_323 : i32
      %get3A_325 = arith.index_cast %sub3A_324 : i32 to index
      %get3A_326 = tpu.vector_load %arg5[%get3A_325] {strides = array<i32>} : memref<128xi32, #tpu.memory_space<vmem>>, vector<16xi32>,
      %eq3A_327 = vector.broadcast %and3A_323 : i32 to vector<16xi32>
      %eq3A_328 = arith.cmpi eq, %iota3A, %eq3A_327 : vector<16xi32>
      %jit3A_329 = arith.constant 0 : i32
      %broadcast_in_dim3A_330 = vector.broadcast %jit3A_329 : i32 to vector<16xi32>
      %select_n3A_331 = arith.select %eq3A_328, %get3A_326, %broadcast_in_dim3A_330 : vector<16xi1>, vector<16xi32>
      %reduce_sum3A_332 = arith.constant true
      %reduce_sum3A_333 = vector.broadcast %reduce_sum3A_332 : i1 to vector<16xi1>
      %reduce_sum3A_334 = tpu.scan <sum>, %select_n3A_331 masked %reduce_sum3A_333 : vector<16xi32>, vector<16xi1> -> vector<16xi32>
      %reduce_sum3A_335 = vector.extract %reduce_sum3A_334[15] : i32 from vector<16xi32>
      %ge3A_336 = arith.constant 16000 : i32
      %ge3A_337 = arith.cmpi sge, %reduce_sum3A_335, %ge3A_336 : i32
      %mul3A_338 = arith.constant 0 : i32
      %mul3A_339 = vector.broadcast %mul3A_338 : i32 to vector<16xi32>
      %mul3A_340 = arith.muli %iota3A, %mul3A_339 : vector<16xi32>
      %sub3A_341 = arith.constant 16000 : i32
      %sub3A_342 = arith.subi %reduce_sum3A_335, %sub3A_341 : i32
      %jit3A_343 = arith.constant 0 : i32
      %select_n3A_344 = arith.select %ge3A_337, %sub3A_342, %jit3A_343 : i32
      %add3A_345 = vector.broadcast %select_n3A_344 : i32 to vector<16xi32>
      %add3A_346 = arith.addi %mul3A_340, %add3A_345 : vector<16xi32>
      %gather3A_347 = tpu.vector_load_idx %arg10[%add3A_346] : memref<16000xf32, #tpu.memory_space<vmem>>[vector<16xi32>], vector<16xf32>,
      %eq3A_348 = arith.constant 0 : i32
      %eq3A_349 = vector.broadcast %eq3A_348 : i32 to vector<16xi32>
      %eq3A_350 = arith.cmpi eq, %iota3A, %eq3A_349 : vector<16xi32>
      %and3A_351 = vector.broadcast %ge3A_337 : i1 to vector<16xi1>
      %and3A_352 = arith.andi %eq3A_350, %and3A_351 : vector<16xi1>
      %jit3A_353 = arith.constant 0.000000e+00 : f32
      %broadcast_in_dim3A_354 = vector.broadcast %jit3A_353 : f32 to vector<16xf32>
      %select_n3A_355 = arith.select %and3A_352, %gather3A_347, %broadcast_in_dim3A_354 : vector<16xi1>, vector<16xf32>
      %add3A_356 = arith.addf %add3A_280, %select_n3A_355 : vector<16xf32>
      %get3A_357 = arith.index_cast %sub3A_324 : i32 to index
      %get3A_358 = tpu.vector_load %arg6[%get3A_357] {strides = array<i32>} : memref<128xf32, #tpu.memory_space<vmem>>, vector<16xf32>,
      %eq3A_359 = vector.broadcast %and3A_323 : i32 to vector<16xi32>
      %eq3A_360 = arith.cmpi eq, %iota3A, %eq3A_359 : vector<16xi32>
      %broadcast_in_dim3A_361 = vector.broadcast %reduce_sum3A_321 : f32 to vector<16xf32>
      %select_n3A_362 = arith.select %eq3A_360, %broadcast_in_dim3A_361, %get3A_358 : vector<16xi1>, vector<16xf32>
      %swap3A_363 = arith.index_cast %sub3A_324 : i32 to index
      %swap3A_364 = tpu.vector_load %arg6[%swap3A_363] {strides = array<i32>} : memref<128xf32, #tpu.memory_space<vmem>>, vector<16xf32>,
      tpu.vector_store %arg6[%swap3A_363], %select_n3A_362 {strides = array<i32>} : memref<128xf32, #tpu.memory_space<vmem>>, vector<16xf32>,
      %add3A_365 = arith.constant 4 : i32
      %add3A_366 = arith.addi %add3A_299, %add3A_365 : i32
      %lt3A_367 = arith.constant 128 : i32
      %lt3A_368 = arith.cmpi slt, %add3A_366, %lt3A_367 : i32
      %convert_element_type3A_369 = arith.extui %lt3A_368 : i1 to i32
      %cond3A_370 = arith.constant 0 : i32
      %cond3A_371 = arith.cmpi ne, %convert_element_type3A_369, %cond3A_370 : i32
      scf.if %cond3A_371 {
        %add3A_448 = arith.addi %mul3A_2, %add3A_299 : i32
        %add3A_449 = arith.constant 4 : i32
        %add3A_450 = arith.addi %add3A_448, %add3A_449 : i32
        %dma_start3A_451 = arith.constant 16000 : i32
        %dma_start3A_452 = tpu.memref_slice %arg2[%add3A_450, %dma_start3A_451] : memref<4096x32000xf32, #tpu.memory_space<hbm>> -> memref<1x16000xf32, #tpu.memory_space<hbm>>
        %dma_start3A_453 = tpu.memref_squeeze %dma_start3A_452 : memref<1x16000xf32, #tpu.memory_space<hbm>> -> memref<16000xf32, #tpu.memory_space<hbm>>
        %dma_start3A_454 = arith.constant 16000 : i32
        %dma_start3A_455 = tpu.memref_slice %arg2[%add3A_450, %dma_start3A_454] : memref<4096x32000xf32, #tpu.memory_space<hbm>> -> memref<1x16000xf32, #tpu.memory_space<hbm>>
        %dma_start3A_456 = tpu.memref_squeeze %dma_start3A_455 : memref<1x16000xf32, #tpu.memory_space<hbm>> -> memref<16000xf32, #tpu.memory_space<hbm>>
        tpu.enqueue_dma source(%dma_start3A_456 : memref<16000xf32, #tpu.memory_space<hbm>>) target(%arg10 : memref<16000xf32, #tpu.memory_space<vmem>>) target_semaphore(%arg14 : memref<!tpu.dma_semaphore, #tpu.memory_space<semaphore_mem>>)
      } else {
      }
      %mul3A_372 = arith.constant 4 : i32
      %mul3A_373 = arith.muli %mul3A_372, %scan3A_152 : i32
      %add3A_374 = arith.constant 3 : i32
      %add3A_375 = arith.addi %mul3A_373, %add3A_374 : i32
      %dma_wait3A_376 = arith.constant 0 : i32
      %dma_wait3A_377 = arith.constant 16000 : i32
      %dma_wait3A_378 = tpu.memref_slice %arg2[%dma_wait3A_376, %dma_wait3A_377] : memref<4096x32000xf32, #tpu.memory_space<hbm>> -> memref<1x16000xf32, #tpu.memory_space<hbm>>
      %dma_wait3A_379 = tpu.memref_squeeze %dma_wait3A_378 : memref<1x16000xf32, #tpu.memory_space<hbm>> -> memref<16000xf32, #tpu.memory_space<hbm>>
      %dma_wait3A_380 = arith.constant 16000 : i32
      %dma_wait3A_381 = tpu.memref_slice %arg2[%dma_wait3A_376, %dma_wait3A_380] : memref<4096x32000xf32, #tpu.memory_space<hbm>> -> memref<1x16000xf32, #tpu.memory_space<hbm>>
      %dma_wait3A_382 = tpu.memref_squeeze %dma_wait3A_381 : memref<1x16000xf32, #tpu.memory_space<hbm>> -> memref<16000xf32, #tpu.memory_space<hbm>>
      tpu.wait_dma2 semaphore(%arg15 : memref<!tpu.dma_semaphore, #tpu.memory_space<semaphore_mem>>) src(%dma_wait3A_382 : memref<16000xf32, #tpu.memory_space<hbm>>) dst(%arg11 : memref<16000xf32, #tpu.memory_space<vmem>>)
      %broadcast_in_dim3A_383 = arith.constant 0.000000e+00 : f32
      %broadcast_in_dim3A_384 = vector.broadcast %broadcast_in_dim3A_383 : f32 to vector<16xf32>
      %scan3A_385 = arith.constant 0 : i32
      %scan3A_386 = arith.constant 125 : i32
      %scan3A_387 = arith.addi %scan3A_385, %scan3A_386 : i32
      %scan3A_388 = arith.constant 1 : i32
      %scan3A_389:4 = scf.for %scan3A_448 = %scan3A_385 to %scan3A_387 step %scan3A_388 iter_args(%scan3A_449 = %broadcast_in_dim3A_384, %scan3A_450 = %broadcast_in_dim3A_384, %scan3A_451 = %broadcast_in_dim3A_384, %scan3A_452 = %broadcast_in_dim3A_384) -> (vector<16xf32>, vector<16xf32>, vector<16xf32>, vector<16xf32>)  : i32 {
        %mul3A_453 = arith.constant 128 : i32
        %mul3A_454 = arith.muli %scan3A_448, %mul3A_453 : i32
        %get3A_455 = arith.index_cast %mul3A_454 : i32 to index
        %get3A_456 = tpu.vector_load %arg11[%get3A_455] {strides = array<i32>} : memref<16000xf32, #tpu.memory_space<vmem>>, vector<16xf32>,
        %add3A_457 = arith.addf %scan3A_449, %get3A_456 : vector<16xf32>
        %add3A_458 = arith.constant 64 : i32
        %add3A_459 = arith.addi %mul3A_454, %add3A_458 : i32
        %get3A_460 = arith.index_cast %add3A_459 : i32 to index
        %get3A_461 = tpu.vector_load %arg11[%get3A_460] {strides = array<i32>} : memref<16000xf32, #tpu.memory_space<vmem>>, vector<16xf32>,
        %add3A_462 = arith.addf %add3A_457, %get3A_461 : vector<16xf32>
        %add3A_463 = arith.constant 16 : i32
        %add3A_464 = arith.addi %mul3A_454, %add3A_463 : i32
        %get3A_465 = arith.index_cast %add3A_464 : i32 to index
        %get3A_466 = tpu.vector_load %arg11[%get3A_465] {strides = array<i32>} : memref<16000xf32, #tpu.memory_space<vmem>>, vector<16xf32>,
        %add3A_467 = arith.addf %scan3A_450, %get3A_466 : vector<16xf32>
        %add3A_468 = arith.constant 80 : i32
        %add3A_469 = arith.addi %mul3A_454, %add3A_468 : i32
        %get3A_470 = arith.index_cast %add3A_469 : i32 to index
        %get3A_471 = tpu.vector_load %arg11[%get3A_470] {strides = array<i32>} : memref<16000xf32, #tpu.memory_space<vmem>>, vector<16xf32>,
        %add3A_472 = arith.addf %add3A_467, %get3A_471 : vector<16xf32>
        %add3A_473 = arith.constant 32 : i32
        %add3A_474 = arith.addi %mul3A_454, %add3A_473 : i32
        %get3A_475 = arith.index_cast %add3A_474 : i32 to index
        %get3A_476 = tpu.vector_load %arg11[%get3A_475] {strides = array<i32>} : memref<16000xf32, #tpu.memory_space<vmem>>, vector<16xf32>,
        %add3A_477 = arith.addf %scan3A_451, %get3A_476 : vector<16xf32>
        %add3A_478 = arith.constant 96 : i32
        %add3A_479 = arith.addi %mul3A_454, %add3A_478 : i32
        %get3A_480 = arith.index_cast %add3A_479 : i32 to index
        %get3A_481 = tpu.vector_load %arg11[%get3A_480] {strides = array<i32>} : memref<16000xf32, #tpu.memory_space<vmem>>, vector<16xf32>,
        %add3A_482 = arith.addf %add3A_477, %get3A_481 : vector<16xf32>
        %add3A_483 = arith.constant 48 : i32
        %add3A_484 = arith.addi %mul3A_454, %add3A_483 : i32
        %get3A_485 = arith.index_cast %add3A_484 : i32 to index
        %get3A_486 = tpu.vector_load %arg11[%get3A_485] {strides = array<i32>} : memref<16000xf32, #tpu.memory_space<vmem>>, vector<16xf32>,
        %add3A_487 = arith.addf %scan3A_452, %get3A_486 : vector<16xf32>
        %add3A_488 = arith.constant 112 : i32
        %add3A_489 = arith.addi %mul3A_454, %add3A_488 : i32
        %get3A_490 = arith.index_cast %add3A_489 : i32 to index
        %get3A_491 = tpu.vector_load %arg11[%get3A_490] {strides = array<i32>} : memref<16000xf32, #tpu.memory_space<vmem>>, vector<16xf32>,
        %add3A_492 = arith.addf %add3A_487, %get3A_491 : vector<16xf32>
        scf.yield %add3A_462, %add3A_472, %add3A_482, %add3A_492 : vector<16xf32>, vector<16xf32>, vector<16xf32>, vector<16xf32>
      }
      %scan3A_390 = arith.constant 125 : i32
      %add3A_391 = arith.addf %scan3A_389#0, %scan3A_389#1 : vector<16xf32>
      %add3A_392 = arith.addf %scan3A_389#2, %scan3A_389#3 : vector<16xf32>
      %add3A_393 = arith.addf %add3A_391, %add3A_392 : vector<16xf32>
      %reduce_sum3A_394 = arith.constant true
      %reduce_sum3A_395 = vector.broadcast %reduce_sum3A_394 : i1 to vector<16xi1>
      %reduce_sum3A_396 = tpu.scan <sum>, %add3A_393 masked %reduce_sum3A_395 : vector<16xf32>, vector<16xi1> -> vector<16xf32>
      %reduce_sum3A_397 = vector.extract %reduce_sum3A_396[15] : f32 from vector<16xf32>
      %and3A_398 = arith.constant 15 : i32
      %and3A_399 = arith.andi %add3A_375, %and3A_398 : i32
      %sub3A_400 = arith.subi %add3A_375, %and3A_399 : i32
      %get3A_401 = arith.index_cast %sub3A_400 : i32 to index
      %get3A_402 = tpu.vector_load %arg5[%get3A_401] {strides = array<i32>} : memref<128xi32, #tpu.memory_space<vmem>>, vector<16xi32>,
      %eq3A_403 = vector.broadcast %and3A_399 : i32 to vector<16xi32>
      %eq3A_404 = arith.cmpi eq, %iota3A, %eq3A_403 : vector<16xi32>
      %jit3A_405 = arith.constant 0 : i32
      %broadcast_in_dim3A_406 = vector.broadcast %jit3A_405 : i32 to vector<16xi32>
      %select_n3A_407 = arith.select %eq3A_404, %get3A_402, %broadcast_in_dim3A_406 : vector<16xi1>, vector<16xi32>
      %reduce_sum3A_408 = arith.constant true
      %reduce_sum3A_409 = vector.broadcast %reduce_sum3A_408 : i1 to vector<16xi1>
      %reduce_sum3A_410 = tpu.scan <sum>, %select_n3A_407 masked %reduce_sum3A_409 : vector<16xi32>, vector<16xi1> -> vector<16xi32>
      %reduce_sum3A_411 = vector.extract %reduce_sum3A_410[15] : i32 from vector<16xi32>
      %ge3A_412 = arith.constant 16000 : i32
      %ge3A_413 = arith.cmpi sge, %reduce_sum3A_411, %ge3A_412 : i32
      %mul3A_414 = arith.constant 0 : i32
      %mul3A_415 = vector.broadcast %mul3A_414 : i32 to vector<16xi32>
      %mul3A_416 = arith.muli %iota3A, %mul3A_415 : vector<16xi32>
      %sub3A_417 = arith.constant 16000 : i32
      %sub3A_418 = arith.subi %reduce_sum3A_411, %sub3A_417 : i32
      %jit3A_419 = arith.constant 0 : i32
      %select_n3A_420 = arith.select %ge3A_413, %sub3A_418, %jit3A_419 : i32
      %add3A_421 = vector.broadcast %select_n3A_420 : i32 to vector<16xi32>
      %add3A_422 = arith.addi %mul3A_416, %add3A_421 : vector<16xi32>
      %gather3A_423 = tpu.vector_load_idx %arg11[%add3A_422] : memref<16000xf32, #tpu.memory_space<vmem>>[vector<16xi32>], vector<16xf32>,
      %eq3A_424 = arith.constant 0 : i32
      %eq3A_425 = vector.broadcast %eq3A_424 : i32 to vector<16xi32>
      %eq3A_426 = arith.cmpi eq, %iota3A, %eq3A_425 : vector<16xi32>
      %and3A_427 = vector.broadcast %ge3A_413 : i1 to vector<16xi1>
      %and3A_428 = arith.andi %eq3A_426, %and3A_427 : vector<16xi1>
      %jit3A_429 = arith.constant 0.000000e+00 : f32
      %broadcast_in_dim3A_430 = vector.broadcast %jit3A_429 : f32 to vector<16xf32>
      %select_n3A_431 = arith.select %and3A_428, %gather3A_423, %broadcast_in_dim3A_430 : vector<16xi1>, vector<16xf32>
      %add3A_432 = arith.addf %add3A_356, %select_n3A_431 : vector<16xf32>
      %get3A_433 = arith.index_cast %sub3A_400 : i32 to index
      %get3A_434 = tpu.vector_load %arg6[%get3A_433] {strides = array<i32>} : memref<128xf32, #tpu.memory_space<vmem>>, vector<16xf32>,
      %eq3A_435 = vector.broadcast %and3A_399 : i32 to vector<16xi32>
      %eq3A_436 = arith.cmpi eq, %iota3A, %eq3A_435 : vector<16xi32>
      %broadcast_in_dim3A_437 = vector.broadcast %reduce_sum3A_397 : f32 to vector<16xf32>
      %select_n3A_438 = arith.select %eq3A_436, %broadcast_in_dim3A_437, %get3A_434 : vector<16xi1>, vector<16xf32>
      %swap3A_439 = arith.index_cast %sub3A_400 : i32 to index
      %swap3A_440 = tpu.vector_load %arg6[%swap3A_439] {strides = array<i32>} : memref<128xf32, #tpu.memory_space<vmem>>, vector<16xf32>,
      tpu.vector_store %arg6[%swap3A_439], %select_n3A_438 {strides = array<i32>} : memref<128xf32, #tpu.memory_space<vmem>>, vector<16xf32>,
      %add3A_441 = arith.constant 4 : i32
      %add3A_442 = arith.addi %add3A_375, %add3A_441 : i32
      %lt3A_443 = arith.constant 128 : i32
      %lt3A_444 = arith.cmpi slt, %add3A_442, %lt3A_443 : i32
      %convert_element_type3A_445 = arith.extui %lt3A_444 : i1 to i32
      %cond3A_446 = arith.constant 0 : i32
      %cond3A_447 = arith.cmpi ne, %convert_element_type3A_445, %cond3A_446 : i32
      scf.if %cond3A_447 {
        %add3A_448 = arith.addi %mul3A_2, %add3A_375 : i32
        %add3A_449 = arith.constant 4 : i32
        %add3A_450 = arith.addi %add3A_448, %add3A_449 : i32
        %dma_start3A_451 = arith.constant 16000 : i32
        %dma_start3A_452 = tpu.memref_slice %arg2[%add3A_450, %dma_start3A_451] : memref<4096x32000xf32, #tpu.memory_space<hbm>> -> memref<1x16000xf32, #tpu.memory_space<hbm>>
        %dma_start3A_453 = tpu.memref_squeeze %dma_start3A_452 : memref<1x16000xf32, #tpu.memory_space<hbm>> -> memref<16000xf32, #tpu.memory_space<hbm>>
        %dma_start3A_454 = arith.constant 16000 : i32
        %dma_start3A_455 = tpu.memref_slice %arg2[%add3A_450, %dma_start3A_454] : memref<4096x32000xf32, #tpu.memory_space<hbm>> -> memref<1x16000xf32, #tpu.memory_space<hbm>>
        %dma_start3A_456 = tpu.memref_squeeze %dma_start3A_455 : memref<1x16000xf32, #tpu.memory_space<hbm>> -> memref<16000xf32, #tpu.memory_space<hbm>>
        tpu.enqueue_dma source(%dma_start3A_456 : memref<16000xf32, #tpu.memory_space<hbm>>) target(%arg11 : memref<16000xf32, #tpu.memory_space<vmem>>) target_semaphore(%arg15 : memref<!tpu.dma_semaphore, #tpu.memory_space<semaphore_mem>>)
      } else {
      }
      scf.yield %add3A_432 : vector<16xf32>
    }
    %scan3A_39 = arith.constant 32 : i32
    %mul3A_40 = arith.constant -0.899996876 : f32
    %mul3A_41 = vector.broadcast %mul3A_40 : f32 to vector<16xf32>
    %mul3A_42 = arith.mulf %mul3A_41, %scan3A_38 : vector<16xf32>
    %get3A = arith.constant 0 : index
    %get3A_43 = tpu.vector_load %arg5[%get3A] {strides = array<i32>} : memref<128xi32, #tpu.memory_space<vmem>>, vector<16xi32>,
    %ne3A = arith.constant 0 : i32
    %ne3A_44 = vector.broadcast %ne3A : i32 to vector<16xi32>
    %ne3A_45 = arith.cmpi ne, %get3A_43, %ne3A_44 : vector<16xi32>
    %get3A_46 = arith.constant 0 : index
    %get3A_47 = tpu.vector_load %arg6[%get3A_46] {strides = array<i32>} : memref<128xf32, #tpu.memory_space<vmem>>, vector<16xf32>,
    %mul3A_48 = arith.constant -3.12519524E-6 : f32
    %mul3A_49 = vector.broadcast %mul3A_48 : f32 to vector<16xf32>
    %mul3A_50 = arith.mulf %mul3A_49, %get3A_47 : vector<16xf32>
    %jit3A = arith.constant 0.000000e+00 : f32
    %broadcast_in_dim3A_51 = vector.broadcast %jit3A : f32 to vector<16xf32>
    %select_n3A = arith.select %ne3A_45, %mul3A_50, %broadcast_in_dim3A_51 : vector<16xi1>, vector<16xf32>
    %add3A_52 = arith.addf %mul3A_42, %select_n3A : vector<16xf32>
    %get3A_53 = arith.constant 16 : index
    %get3A_54 = tpu.vector_load %arg5[%get3A_53] {strides = array<i32>} : memref<128xi32, #tpu.memory_space<vmem>>, vector<16xi32>,
    %ne3A_55 = arith.constant 0 : i32
    %ne3A_56 = vector.broadcast %ne3A_55 : i32 to vector<16xi32>
    %ne3A_57 = arith.cmpi ne, %get3A_54, %ne3A_56 : vector<16xi32>
    %get3A_58 = arith.constant 16 : index
    %get3A_59 = tpu.vector_load %arg6[%get3A_58] {strides = array<i32>} : memref<128xf32, #tpu.memory_space<vmem>>, vector<16xf32>,
    %mul3A_60 = arith.constant -3.12519524E-6 : f32
    %mul3A_61 = vector.broadcast %mul3A_60 : f32 to vector<16xf32>
    %mul3A_62 = arith.mulf %mul3A_61, %get3A_59 : vector<16xf32>
    %jit3A_63 = arith.constant 0.000000e+00 : f32
    %broadcast_in_dim3A_64 = vector.broadcast %jit3A_63 : f32 to vector<16xf32>
    %select_n3A_65 = arith.select %ne3A_57, %mul3A_62, %broadcast_in_dim3A_64 : vector<16xi1>, vector<16xf32>
    %add3A_66 = arith.addf %add3A_52, %select_n3A_65 : vector<16xf32>
    %get3A_67 = arith.constant 32 : index
    %get3A_68 = tpu.vector_load %arg5[%get3A_67] {strides = array<i32>} : memref<128xi32, #tpu.memory_space<vmem>>, vector<16xi32>,
    %ne3A_69 = arith.constant 0 : i32
    %ne3A_70 = vector.broadcast %ne3A_69 : i32 to vector<16xi32>
    %ne3A_71 = arith.cmpi ne, %get3A_68, %ne3A_70 : vector<16xi32>
    %get3A_72 = arith.constant 32 : index
    %get3A_73 = tpu.vector_load %arg6[%get3A_72] {strides = array<i32>} : memref<128xf32, #tpu.memory_space<vmem>>, vector<16xf32>,
    %mul3A_74 = arith.constant -3.12519524E-6 : f32
    %mul3A_75 = vector.broadcast %mul3A_74 : f32 to vector<16xf32>
    %mul3A_76 = arith.mulf %mul3A_75, %get3A_73 : vector<16xf32>
    %jit3A_77 = arith.constant 0.000000e+00 : f32
    %broadcast_in_dim3A_78 = vector.broadcast %jit3A_77 : f32 to vector<16xf32>
    %select_n3A_79 = arith.select %ne3A_71, %mul3A_76, %broadcast_in_dim3A_78 : vector<16xi1>, vector<16xf32>
    %add3A_80 = arith.addf %add3A_66, %select_n3A_79 : vector<16xf32>
    %get3A_81 = arith.constant 48 : index
    %get3A_82 = tpu.vector_load %arg5[%get3A_81] {strides = array<i32>} : memref<128xi32, #tpu.memory_space<vmem>>, vector<16xi32>,
    %ne3A_83 = arith.constant 0 : i32
    %ne3A_84 = vector.broadcast %ne3A_83 : i32 to vector<16xi32>
    %ne3A_85 = arith.cmpi ne, %get3A_82, %ne3A_84 : vector<16xi32>
    %get3A_86 = arith.constant 48 : index
    %get3A_87 = tpu.vector_load %arg6[%get3A_86] {strides = array<i32>} : memref<128xf32, #tpu.memory_space<vmem>>, vector<16xf32>,
    %mul3A_88 = arith.constant -3.12519524E-6 : f32
    %mul3A_89 = vector.broadcast %mul3A_88 : f32 to vector<16xf32>
    %mul3A_90 = arith.mulf %mul3A_89, %get3A_87 : vector<16xf32>
    %jit3A_91 = arith.constant 0.000000e+00 : f32
    %broadcast_in_dim3A_92 = vector.broadcast %jit3A_91 : f32 to vector<16xf32>
    %select_n3A_93 = arith.select %ne3A_85, %mul3A_90, %broadcast_in_dim3A_92 : vector<16xi1>, vector<16xf32>
    %add3A_94 = arith.addf %add3A_80, %select_n3A_93 : vector<16xf32>
    %get3A_95 = arith.constant 64 : index
    %get3A_96 = tpu.vector_load %arg5[%get3A_95] {strides = array<i32>} : memref<128xi32, #tpu.memory_space<vmem>>, vector<16xi32>,
    %ne3A_97 = arith.constant 0 : i32
    %ne3A_98 = vector.broadcast %ne3A_97 : i32 to vector<16xi32>
    %ne3A_99 = arith.cmpi ne, %get3A_96, %ne3A_98 : vector<16xi32>
    %get3A_100 = arith.constant 64 : index
    %get3A_101 = tpu.vector_load %arg6[%get3A_100] {strides = array<i32>} : memref<128xf32, #tpu.memory_space<vmem>>, vector<16xf32>,
    %mul3A_102 = arith.constant -3.12519524E-6 : f32
    %mul3A_103 = vector.broadcast %mul3A_102 : f32 to vector<16xf32>
    %mul3A_104 = arith.mulf %mul3A_103, %get3A_101 : vector<16xf32>
    %jit3A_105 = arith.constant 0.000000e+00 : f32
    %broadcast_in_dim3A_106 = vector.broadcast %jit3A_105 : f32 to vector<16xf32>
    %select_n3A_107 = arith.select %ne3A_99, %mul3A_104, %broadcast_in_dim3A_106 : vector<16xi1>, vector<16xf32>
    %add3A_108 = arith.addf %add3A_94, %select_n3A_107 : vector<16xf32>
    %get3A_109 = arith.constant 80 : index
    %get3A_110 = tpu.vector_load %arg5[%get3A_109] {strides = array<i32>} : memref<128xi32, #tpu.memory_space<vmem>>, vector<16xi32>,
    %ne3A_111 = arith.constant 0 : i32
    %ne3A_112 = vector.broadcast %ne3A_111 : i32 to vector<16xi32>
    %ne3A_113 = arith.cmpi ne, %get3A_110, %ne3A_112 : vector<16xi32>
    %get3A_114 = arith.constant 80 : index
    %get3A_115 = tpu.vector_load %arg6[%get3A_114] {strides = array<i32>} : memref<128xf32, #tpu.memory_space<vmem>>, vector<16xf32>,
    %mul3A_116 = arith.constant -3.12519524E-6 : f32
    %mul3A_117 = vector.broadcast %mul3A_116 : f32 to vector<16xf32>
    %mul3A_118 = arith.mulf %mul3A_117, %get3A_115 : vector<16xf32>
    %jit3A_119 = arith.constant 0.000000e+00 : f32
    %broadcast_in_dim3A_120 = vector.broadcast %jit3A_119 : f32 to vector<16xf32>
    %select_n3A_121 = arith.select %ne3A_113, %mul3A_118, %broadcast_in_dim3A_120 : vector<16xi1>, vector<16xf32>
    %add3A_122 = arith.addf %add3A_108, %select_n3A_121 : vector<16xf32>
    %get3A_123 = arith.constant 96 : index
    %get3A_124 = tpu.vector_load %arg5[%get3A_123] {strides = array<i32>} : memref<128xi32, #tpu.memory_space<vmem>>, vector<16xi32>,
    %ne3A_125 = arith.constant 0 : i32
    %ne3A_126 = vector.broadcast %ne3A_125 : i32 to vector<16xi32>
    %ne3A_127 = arith.cmpi ne, %get3A_124, %ne3A_126 : vector<16xi32>
    %get3A_128 = arith.constant 96 : index
    %get3A_129 = tpu.vector_load %arg6[%get3A_128] {strides = array<i32>} : memref<128xf32, #tpu.memory_space<vmem>>, vector<16xf32>,
    %mul3A_130 = arith.constant -3.12519524E-6 : f32
    %mul3A_131 = vector.broadcast %mul3A_130 : f32 to vector<16xf32>
    %mul3A_132 = arith.mulf %mul3A_131, %get3A_129 : vector<16xf32>
    %jit3A_133 = arith.constant 0.000000e+00 : f32
    %broadcast_in_dim3A_134 = vector.broadcast %jit3A_133 : f32 to vector<16xf32>
    %select_n3A_135 = arith.select %ne3A_127, %mul3A_132, %broadcast_in_dim3A_134 : vector<16xi1>, vector<16xf32>
    %add3A_136 = arith.addf %add3A_122, %select_n3A_135 : vector<16xf32>
    %get3A_137 = arith.constant 112 : index
    %get3A_138 = tpu.vector_load %arg5[%get3A_137] {strides = array<i32>} : memref<128xi32, #tpu.memory_space<vmem>>, vector<16xi32>,
    %ne3A_139 = arith.constant 0 : i32
    %ne3A_140 = vector.broadcast %ne3A_139 : i32 to vector<16xi32>
    %ne3A_141 = arith.cmpi ne, %get3A_138, %ne3A_140 : vector<16xi32>
    %get3A_142 = arith.constant 112 : index
    %get3A_143 = tpu.vector_load %arg6[%get3A_142] {strides = array<i32>} : memref<128xf32, #tpu.memory_space<vmem>>, vector<16xf32>,
    %mul3A_144 = arith.constant -3.12519524E-6 : f32
    %mul3A_145 = vector.broadcast %mul3A_144 : f32 to vector<16xf32>
    %mul3A_146 = arith.mulf %mul3A_145, %get3A_143 : vector<16xf32>
    %jit3A_147 = arith.constant 0.000000e+00 : f32
    %broadcast_in_dim3A_148 = vector.broadcast %jit3A_147 : f32 to vector<16xf32>
    %select_n3A_149 = arith.select %ne3A_141, %mul3A_146, %broadcast_in_dim3A_148 : vector<16xi1>, vector<16xf32>
    %add3A_150 = arith.addf %add3A_136, %select_n3A_149 : vector<16xf32>
    %swap3A = arith.constant 0 : index
    %swap3A_151 = tpu.vector_load %arg7[%swap3A] {strides = array<i32>} : memref<16xf32, #tpu.memory_space<vmem>>, vector<16xf32>,
    tpu.vector_store %arg7[%swap3A], %add3A_150 {strides = array<i32>} : memref<16xf32, #tpu.memory_space<vmem>>, vector<16xf32>,
    "tpu.region"() ({
      %run_scoped3A = tpu.sem_alloc : memref<!tpu.dma_semaphore, #tpu.memory_space<semaphore_mem>>
      %dma_start3A_152 = arith.constant 0 : i32
      %dma_start3A_153 = tpu.memref_slice %arg4[%add3A, %dma_start3A_152] : memref<32x16xf32, #tpu.memory_space<hbm>> -> memref<1x16xf32, #tpu.memory_space<hbm>>
      %dma_start3A_154 = tpu.memref_squeeze %dma_start3A_153 : memref<1x16xf32, #tpu.memory_space<hbm>> -> memref<16xf32, #tpu.memory_space<hbm>>
      %dma_start3A_155 = arith.constant 0 : i32
      %dma_start3A_156 = tpu.memref_slice %arg4[%add3A, %dma_start3A_155] : memref<32x16xf32, #tpu.memory_space<hbm>> -> memref<1x16xf32, #tpu.memory_space<hbm>>
      %dma_start3A_157 = tpu.memref_squeeze %dma_start3A_156 : memref<1x16xf32, #tpu.memory_space<hbm>> -> memref<16xf32, #tpu.memory_space<hbm>>
      tpu.enqueue_dma source(%arg7 : memref<16xf32, #tpu.memory_space<vmem>>) target(%dma_start3A_157 : memref<16xf32, #tpu.memory_space<hbm>>) target_semaphore(%run_scoped3A : memref<!tpu.dma_semaphore, #tpu.memory_space<semaphore_mem>>)
      %dma_wait3A = arith.constant 0 : i32
      %dma_wait3A_158 = tpu.memref_slice %arg4[%add3A, %dma_wait3A] : memref<32x16xf32, #tpu.memory_space<hbm>> -> memref<1x16xf32, #tpu.memory_space<hbm>>
      %dma_wait3A_159 = tpu.memref_squeeze %dma_wait3A_158 : memref<1x16xf32, #tpu.memory_space<hbm>> -> memref<16xf32, #tpu.memory_space<hbm>>
      %dma_wait3A_160 = arith.constant 0 : i32
      %dma_wait3A_161 = tpu.memref_slice %arg4[%add3A, %dma_wait3A_160] : memref<32x16xf32, #tpu.memory_space<hbm>> -> memref<1x16xf32, #tpu.memory_space<hbm>>
      %dma_wait3A_162 = tpu.memref_squeeze %dma_wait3A_161 : memref<1x16xf32, #tpu.memory_space<hbm>> -> memref<16xf32, #tpu.memory_space<hbm>>
      tpu.wait_dma2 semaphore(%run_scoped3A : memref<!tpu.dma_semaphore, #tpu.memory_space<semaphore_mem>>) src(%arg7 : memref<16xf32, #tpu.memory_space<vmem>>) dst(%dma_wait3A_162 : memref<16xf32, #tpu.memory_space<hbm>>)
      tpu.yield
    }) : () -> ()
    return
  }
}

module attributes {stable_mosaic.version = 14 : i64} {
  func.func @_tc_body(%arg0: i32, %arg1: i32, %arg2: memref<256x3200xf32, #tpu.memory_space<vmem>>, %arg3: memref<16x256x1xi32, #tpu.memory_space<vmem>>, %arg4: memref<1x1xf32, #tpu.memory_space<smem>>) attributes {dimension_semantics = [#tpu.dimension_semantics<arbitrary>, #tpu.dimension_semantics<arbitrary>], iteration_bounds = array<i64: 16, 5>, scalar_prefetch = 0 : i64, scratch_operands = 0 : i64, tpu.core_type = #tpu.core_type<tc>, window_params = [{transform_indices = @transform_0, window_bounds = array<i64: 256, 3200>}, {pipeline_mode = #tpu.pipeline_mode<synchronous>, transform_indices = @transform_1, window_bounds = array<i64: 16, 256, 1>}, {transform_indices = @transform_2, window_bounds = array<i64: 1, 1>}]} {
    %eq3A = arith.constant 0 : i32
    %eq3A_0 = arith.cmpi eq, %arg0, %eq3A : i32
    %eq3A_1 = arith.constant 0 : i32
    %eq3A_2 = arith.cmpi eq, %arg1, %eq3A_1 : i32
    %and3A = arith.andi %eq3A_0, %eq3A_2 : i1
    %convert_element_type3A = arith.extui %and3A : i1 to i32
    %cond3A = arith.constant 0 : i32
    %cond3A_3 = arith.cmpi ne, %convert_element_type3A, %cond3A : i32
    scf.if %cond3A_3 {
      %swap3A_50 = arith.constant 0.000000e+00 : f32
      %swap3A_51 = arith.constant 0 : index
      %swap3A_52 = arith.constant 0 : index
      %swap3A_53 = memref.load %arg4[%swap3A_51, %swap3A_52] : memref<1x1xf32, #tpu.memory_space<smem>>
      memref.store %swap3A_50, %arg4[%swap3A_51, %swap3A_52] : memref<1x1xf32, #tpu.memory_space<smem>>
    } else {
    }
    %get3A = arith.index_cast %arg0 : i32 to index
    %get3A_4 = arith.constant 0 : index
    %get3A_5 = arith.constant 0 : index
    %get3A_6 = vector.load %arg3[%get3A, %get3A_4, %get3A_5] : memref<16x256x1xi32, #tpu.memory_space<vmem>>, vector<1x256x1xi32>
    %get3A_7 = vector.shape_cast %get3A_6 : vector<1x256x1xi32> to vector<256x1xi32>
    %ne3A = arith.constant 0 : i32
    %ne3A_8 = vector.broadcast %ne3A : i32 to vector<256x1xi32>
    %ne3A_9 = arith.cmpi ne, %get3A_7, %ne3A_8 : vector<256x1xi32>
    %get3A_10 = arith.constant 0 : index
    %get3A_11 = arith.constant 0 : index
    %get3A_12 = vector.load %arg2[%get3A_10, %get3A_11] : memref<256x3200xf32, #tpu.memory_space<vmem>>, vector<256x3200xf32>
    %reduce_sum3A = arith.constant dense<0.000000e+00> : vector<256xf32>
    %reduce_sum3A_13 = vector.multi_reduction <add>, %get3A_12, %reduce_sum3A [1] : vector<256x3200xf32> to vector<256xf32>
    %broadcast_in_dim3A = vector.shape_cast %reduce_sum3A_13 : vector<256xf32> to vector<256x1xf32>
    %jit3A = arith.constant 0.000000e+00 : f32
    %broadcast_in_dim3A_14 = vector.broadcast %jit3A : f32 to vector<256x1xf32>
    %select_n3A = arith.select %ne3A_9, %broadcast_in_dim3A, %broadcast_in_dim3A_14 : vector<256x1xi1>, vector<256x1xf32>
    %reduce_sum3A_15 = vector.shape_cast %select_n3A : vector<256x1xf32> to vector<1x256x1xf32>
    %reduce_sum3A_16 = arith.constant dense<0.000000e+00> : vector<1xf32>
    %reduce_sum3A_17 = vector.multi_reduction <add>, %reduce_sum3A_15, %reduce_sum3A_16 [1, 2] : vector<1x256x1xf32> to vector<1xf32>
    %reduce_sum3A_18 = vector.shape_cast %reduce_sum3A_17 : vector<1xf32> to vector<1x1x1xf32>
    %reduce_sum3A_19 = vector.extract %reduce_sum3A_18[0, 0, 0] : f32 from vector<1x1x1xf32>
    %mul3A = arith.constant -3.12519524E-6 : f32
    %mul3A_20 = arith.mulf %mul3A, %reduce_sum3A_19 : f32
    %mul3A_21 = arith.constant 3200 : i32
    %mul3A_22 = arith.muli %arg1, %mul3A_21 : i32
    %iota3A = tpu.iota {dimensions = array<i32: 1>} : vector<256x3200xi32>
    %add3A = vector.broadcast %mul3A_22 : i32 to vector<256x3200xi32>
    %add3A_23 = arith.addi %add3A, %iota3A : vector<256x3200xi32>
    %eq3A_24 = vector.broadcast %get3A_7 : vector<256x1xi32> to vector<256x3200xi32>
    %eq3A_25 = arith.cmpi eq, %eq3A_24, %add3A_23 : vector<256x3200xi32>
    %and3A_26 = vector.broadcast %ne3A_9 : vector<256x1xi1> to vector<256x3200xi1>
    %and3A_27 = arith.andi %eq3A_25, %and3A_26 : vector<256x3200xi1>
    %jit3A_28 = arith.constant 0.000000e+00 : f32
    %broadcast_in_dim3A_29 = vector.broadcast %jit3A_28 : f32 to vector<256x3200xf32>
    %select_n3A_30 = arith.select %and3A_27, %get3A_12, %broadcast_in_dim3A_29 : vector<256x3200xi1>, vector<256x3200xf32>
    %reduce_sum3A_31 = vector.shape_cast %select_n3A_30 : vector<256x3200xf32> to vector<1x256x3200xf32>
    %reduce_sum3A_32 = arith.constant dense<0.000000e+00> : vector<1xf32>
    %reduce_sum3A_33 = vector.multi_reduction <add>, %reduce_sum3A_31, %reduce_sum3A_32 [1, 2] : vector<1x256x3200xf32> to vector<1xf32>
    %reduce_sum3A_34 = vector.shape_cast %reduce_sum3A_33 : vector<1xf32> to vector<1x1x1xf32>
    %reduce_sum3A_35 = vector.extract %reduce_sum3A_34[0, 0, 0] : f32 from vector<1x1x1xf32>
    %mul3A_36 = arith.constant -0.899996876 : f32
    %mul3A_37 = arith.mulf %mul3A_36, %reduce_sum3A_35 : f32
    %add3A_38 = arith.addf %mul3A_20, %mul3A_37 : f32
    %eq3A_39 = arith.constant 0 : i32
    %eq3A_40 = arith.cmpi eq, %arg1, %eq3A_39 : i32
    %convert_element_type3A_41 = arith.extui %eq3A_40 : i1 to i32
    %cond3A_42 = arith.constant 0 : i32
    %cond3A_43 = arith.cmpi ne, %convert_element_type3A_41, %cond3A_42 : i32
    scf.if %cond3A_43 {
      %slice3A = vector.extract_strided_slice %get3A_12 {offsets = [0, 0], sizes = [256, 1], strides = [1, 1]} : vector<256x3200xf32> to vector<256x1xf32>
      %get3A_50 = arith.constant 0 : index
      %get3A_51 = arith.constant 0 : index
      %get3A_52 = memref.load %arg4[%get3A_50, %get3A_51] : memref<1x1xf32, #tpu.memory_space<smem>>
      %jit3A_53 = arith.constant 0.000000e+00 : f32
      %broadcast_in_dim3A_54 = vector.broadcast %jit3A_53 : f32 to vector<256x1xf32>
      %select_n3A_55 = arith.select %ne3A_9, %slice3A, %broadcast_in_dim3A_54 : vector<256x1xi1>, vector<256x1xf32>
      %reduce_sum3A_56 = vector.shape_cast %select_n3A_55 : vector<256x1xf32> to vector<1x256x1xf32>
      %reduce_sum3A_57 = arith.constant dense<0.000000e+00> : vector<1xf32>
      %reduce_sum3A_58 = vector.multi_reduction <add>, %reduce_sum3A_56, %reduce_sum3A_57 [1, 2] : vector<1x256x1xf32> to vector<1xf32>
      %reduce_sum3A_59 = vector.shape_cast %reduce_sum3A_58 : vector<1xf32> to vector<1x1x1xf32>
      %reduce_sum3A_60 = vector.extract %reduce_sum3A_59[0, 0, 0] : f32 from vector<1x1x1xf32>
      %mul3A_61 = arith.constant 3.12519524E-6 : f32
      %mul3A_62 = arith.mulf %mul3A_61, %reduce_sum3A_60 : f32
      %jit3A_63 = arith.constant 1.000000e+00 : f32
      %jit3A_64 = arith.constant 0.000000e+00 : f32
      %broadcast_in_dim3A_65 = vector.broadcast %jit3A_63 : f32 to vector<256x1xf32>
      %broadcast_in_dim3A_66 = vector.broadcast %jit3A_64 : f32 to vector<256x1xf32>
      %select_n3A_67 = arith.select %ne3A_9, %broadcast_in_dim3A_65, %broadcast_in_dim3A_66 : vector<256x1xi1>, vector<256x1xf32>
      %reduce_sum3A_68 = vector.shape_cast %select_n3A_67 : vector<256x1xf32> to vector<1x256x1xf32>
      %reduce_sum3A_69 = arith.constant dense<0.000000e+00> : vector<1xf32>
      %reduce_sum3A_70 = vector.multi_reduction <add>, %reduce_sum3A_68, %reduce_sum3A_69 [1, 2] : vector<1x256x1xf32> to vector<1xf32>
      %reduce_sum3A_71 = vector.shape_cast %reduce_sum3A_70 : vector<1xf32> to vector<1x1x1xf32>
      %reduce_sum3A_72 = vector.extract %reduce_sum3A_71[0, 0, 0] : f32 from vector<1x1x1xf32>
      %mul3A_73 = arith.constant -1.3624258 : f32
      %mul3A_74 = arith.mulf %mul3A_73, %reduce_sum3A_72 : f32
      %add3A_75 = arith.addf %mul3A_62, %mul3A_74 : f32
      %add3A_76 = arith.addf %get3A_52, %add3A_75 : f32
      %swap3A_77 = arith.constant 0 : index
      %swap3A_78 = arith.constant 0 : index
      %swap3A_79 = memref.load %arg4[%swap3A_77, %swap3A_78] : memref<1x1xf32, #tpu.memory_space<smem>>
      memref.store %add3A_76, %arg4[%swap3A_77, %swap3A_78] : memref<1x1xf32, #tpu.memory_space<smem>>
    } else {
    }
    %get3A_44 = arith.constant 0 : index
    %get3A_45 = arith.constant 0 : index
    %get3A_46 = memref.load %arg4[%get3A_44, %get3A_45] : memref<1x1xf32, #tpu.memory_space<smem>>
    %add3A_47 = arith.addf %get3A_46, %add3A_38 : f32
    %swap3A = arith.constant 0 : index
    %swap3A_48 = arith.constant 0 : index
    %swap3A_49 = memref.load %arg4[%swap3A, %swap3A_48] : memref<1x1xf32, #tpu.memory_space<smem>>
    memref.store %add3A_47, %arg4[%swap3A, %swap3A_48] : memref<1x1xf32, #tpu.memory_space<smem>>
    return
  }
  func.func @transform_0(%arg0: i32, %arg1: i32) -> (i32, i32) {
    %c0_i32 = arith.constant 0 : i32
    return %arg0, %arg1 : i32, i32
  }
  func.func @transform_1(%arg0: i32, %arg1: i32) -> (i32, i32, i32) {
    %c0_i32 = arith.constant 0 : i32
    %c0_i32_0 = arith.constant 0 : i32
    %c0_i32_1 = arith.constant 0 : i32
    %c0_i32_2 = arith.constant 0 : i32
    return %c0_i32, %c0_i32_0, %c0_i32_1 : i32, i32, i32
  }
  func.func @transform_2(%arg0: i32, %arg1: i32) -> (i32, i32) {
    %c0_i32 = arith.constant 0 : i32
    %c0_i32_0 = arith.constant 0 : i32
    %c0_i32_1 = arith.constant 0 : i32
    return %c0_i32, %c0_i32_0 : i32, i32
  }
}

</mosaic_0001>

<sc_bundles>
// kernel: kernel.4.cloned.1.call-start
scs
__scs_entry_jumppad:
0x0: {  	(pc) =	sbr.rel $0x88, $3  }
0x1: {  	(tag) =	ssettag $0x0;
	lr =	simm.s32 $0x1  }
0x2: {  	[smem:$0x3F9F] =	sst lr;
	_ =	strace $0xD0000000  }
0x3: {  	_ = 	snop  }
0x4: {  	_ = 	snop  }
0x5: {  	_ = 	snop  }
0x6: {  	_ = 	snop  }
0x7: {  	_ = 	snop  }
__scs_overlays_trampoline_lowered:
0x8: {  	[smem:$0x3FAE] =	sst s0  }
0x9: {  	[smem:$0x3FAF] =	sst s1  }
0xa: {  	[smem:$0x3FB0] =	sst s2  }
0xb: {  	[smem:$0x3FB1] =	sst s3  }
0xc: {  	[smem:$0x3FB2] =	sst s4  }
0xd: {  	[smem:$0x3FB3] =	sst s5  }
0xe: {  	[smem:$0x3FB4] =	sst s6  }
0xf: {  	[smem:$0x3FB5] =	sst s7  }
0x10: {  	[smem:$0x3FB6] =	sst s8  }
0x11: {  	[smem:$0x3FB7] =	sst s9;
	s0 =	simm.s32 @!p0 $0x0  }
0x12: {  	s1 =	sld [smem:$0x3F9D];
	s0 =	simm.s32 @p0 $0x1  }
0x13: {  	[smem:$0x3FB8] =	sst s0;
	s0 =	simm.s32 @!p1 $0x0  }
0x14: {  	s2 =	sld [smem:$0x3F9C];
	s0 =	simm.s32 @p1 $0x1  }
0x15: {  	[smem:$0x3FB9] =	sst s0;
	s0 =	simm.s32 @!p2 $0x0  }
0x16: {  	s3 =	sld [smem:$0x3FDB];
	s0 =	simm.s32 @p2 $0x1  }
0x17: {  	s4 =	simm.s32 $0x1BF5;
	[smem:$0x3FBB] =	sst s0  }
0x18: {  	s0 =	sld [smem:$0x3F9E];
	_ =	swait.ge [sflag:s4], $0x0  }
0x19: {  	s7 =	sld [smem:$0x3F9F]  }
0x1a: {  	s8 =	sadd.s32 $0xFFFFE003, lr  }
0x1b: {  	s9 =	sadd.s32 $0xFFFFFEF7, lr;
	s5 =	simm.s32 $0xFFFFFFFF;
	p2 =	slt.u32 s8, $0xFFFFF086  }
0x1c: {  	p1 =	slt.u32 s9, $0xF7A;
	s5 =	simm.s32 @!p2 $0x0  }
0x1d: {  	s5 =	simm.s32 @p1 $0x1;
	p0 =	seq.s32 s7, s2  }
0x1e: {  	s7 =	smul.u32 @!p0 $0xF7A, s2;
	p2 =	seq.s32 @!p0 s5, $0x0  }
0x1f: {  	s9 =	smul.u32 $0xF7A, s1;
	s8 =	simm.s32 @!p0 $0x1BF5;
	p2 =	por !p2, p0  }
0x20: {  	[sflag:s8] =	ssyncset.s32 @!p0 $0xFFFFF086;
	s6 =	sadd.s32 @!p0 s3, s7;
	s7 =	simm.s32 @!p0 $0x108  }
0x21: {  	s3 =	sadd.s32 s3, s9;
	s6 =	sadd.s32 @!p0 $0x88, s6;
	s7 =	simm.s32 @p2 $0x1082  }
0x22: {  	[simem:s7], [sflag:s8] =	dma.local @!p0 [hbm:s6], $0xF7A  }
0x23: {  	s9 =	sor.u32 $0xD0000000, s2;
	s6 =	simm.s32 $0x108;
	_ =	swait.ge @!p0 [sflag:s8], $0x0  }
0x24: {  	s3 =	sadd.s32 $0x88, s3;
	s6 =	simm.s32 @!p1 $0x1082;
	[sflag:s4] =	ssyncset.s32 $0xFFFFF086  }
0x25: {  	[simem:s6], [sflag:s4] =	dma.local [hbm:s3], $0xF7A  }
0x26: {  	[smem:$0x3F9F] =	sst s1;
	(tag) =	ssettag s2;
	_ =	strace s9  }
0x27: {  	s1 =	sld [smem:$0x3FAF]  }
0x28: {  	s2 =	sld [smem:$0x3FB0]  }
0x29: {  	s4 =	sld [smem:$0x3FB2]  }
0x2a: {  	p0 =	seq.s32 s5, $0x0;
	s5 =	sld [smem:$0x3FB3]  }
0x2b: {  	s6 =	sld [smem:$0x3FB4]  }
0x2c: {  	s7 =	sld [smem:$0x3FB5]  }
0x2d: {  	s3 =	simm.s32 $0x108;
	s8 =	sld [smem:$0x3FB6]  }
0x2e: {  	s3 =	simm.s32 @!p0 $0x1082;
	s9 =	sld [smem:$0x3FB7]  }
0x2f: {  	lr =	sadd.s32 s0, s3;
	s0 =	sld [smem:$0x3FAE]  }
0x30: {  	s3 =	sld [smem:$0x3FB1]  }
0x31: {  	[smem:$0x3FBA] =	sst s10  }
0x32: {  	s10 =	sld [smem:$0x3FB8];
	_ =	sdelay $0x3  }
0x33: {  	p0 =	seq.s32 s10, $0x1;
	s10 =	sld [smem:$0x3FBA];
	_ =	sdelay $0x3  }
0x34: {  	[smem:$0x3FBA] =	sst s10  }
0x35: {  	s10 =	sld [smem:$0x3FB9];
	_ =	sdelay $0x3  }
0x36: {  	p1 =	seq.s32 s10, $0x1;
	s10 =	sld [smem:$0x3FBA];
	_ =	sdelay $0x3  }
0x37: {  	[smem:$0x3FBA] =	sst s10  }
0x38: {  	s10 =	sld [smem:$0x3FBB]  }
0x39: {  	_ = 	snop;
	(pc) =	sbr.ind lr, $3  }
0x3a: {  	_ = 	snop  }
0x3b: {  	_ = 	snop  }
0x3c: {  	p2 =	seq.s32 s10, $0x1;
	s10 =	sld [smem:$0x3FBA]  }
0x3d: {  	_ =	shalt  }
0x3e: {  	_ =	shalt  }
0x3f: {  	_ =	shalt  }
0x40: {  	_ =	shalt  }
0x41: {  	_ =	shalt  }
0x42: {  	_ =	shalt  }
0x43: {  	_ =	shalt  }
0x44: {  	_ =	shalt  }
0x45: {  	_ =	shalt  }
0x46: {  	_ =	shalt  }
0x47: {  	_ =	shalt  }
0x48: {  	_ =	shalt  }
0x49: {  	_ =	shalt  }
0x4a: {  	_ =	shalt  }
0x4b: {  	_ =	shalt  }
0x4c: {  	_ =	shalt  }
0x4d: {  	_ =	shalt  }
0x4e: {  	_ =	shalt  }
0x4f: {  	_ =	shalt  }
0x50: {  	_ =	shalt  }
0x51: {  	_ =	shalt  }
0x52: {  	_ =	shalt  }
0x53: {  	_ =	shalt  }
0x54: {  	_ =	shalt  }
0x55: {  	_ =	shalt  }
0x56: {  	_ =	shalt  }
0x57: {  	_ =	shalt  }
0x58: {  	_ =	shalt  }
0x59: {  	_ =	shalt  }
0x5a: {  	_ =	shalt  }
0x5b: {  	_ =	shalt  }
0x5c: {  	_ =	shalt  }
0x5d: {  	_ =	shalt  }
0x5e: {  	_ =	shalt  }
0x5f: {  	_ =	shalt  }
0x60: {  	_ =	shalt  }
0x61: {  	_ =	shalt  }
0x62: {  	_ =	shalt  }
0x63: {  	_ =	shalt  }
0x64: {  	_ =	shalt  }
0x65: {  	_ =	shalt  }
0x66: {  	_ =	shalt  }
0x67: {  	_ =	shalt  }
0x68: {  	_ =	shalt  }
0x69: {  	_ =	shalt  }
0x6a: {  	_ =	shalt  }
0x6b: {  	_ =	shalt  }
0x6c: {  	_ =	shalt  }
0x6d: {  	_ =	shalt  }
0x6e: {  	_ =	shalt  }
0x6f: {  	_ =	shalt  }
0x70: {  	_ =	shalt  }
0x71: {  	_ =	shalt  }
0x72: {  	_ =	shalt  }
0x73: {  	_ =	shalt  }
0x74: {  	_ =	shalt  }
0x75: {  	_ =	shalt  }
0x76: {  	_ =	shalt  }
0x77: {  	_ =	shalt  }
0x78: {  	_ =	shalt  }
0x79: {  	_ =	shalt  }
0x7a: {  	_ =	shalt  }
0x7b: {  	_ =	shalt  }
0x7c: {  	_ =	shalt  }
0x7d: {  	_ =	shalt  }
0x7e: {  	_ =	shalt  }
0x7f: {  	_ =	shalt  }
0x80: {  	_ =	shalt  }
0x81: {  	_ =	shalt  }
0x82: {  	_ =	shalt  }
0x83: {  	_ =	shalt  }
0x84: {  	_ =	shalt  }
0x85: {  	_ =	shalt  }
0x86: {  	_ =	shalt  }
0x87: {  	_ =	shalt  }
.Lfunc_end0:
.L_simem_size_0:
called_computation_lowered:
.L_overlay_start_0:
0x88: {  	s2 =	sld [smem:$0x3FD9]  }
0x89: {  	s3 =	sld [smem:$0x3FFE];
	_ =	sdelay $0x1  }
0x8a: {  	s1 =	srdreg.scid  }
0x8b: {  	s0 =	sand.u32 $0x1, s1  }
0x8c: {  	s17 =	sshll.u32 s0, $0xA;
	s2 =	sadd.s32 s3, s2  }
0x8d: {  	s2 =	sadd.s32 s2, s17  }
0x8e: {  	[smem:$0x3FC6] =	sst s2  }
0x8f: {  	_ = 	snop  }
0x90: {  	s2 =	sld [smem:$0x3FC9]  }
0x91: {  	s18 =	sld [smem:$0x3FC8];
	(tm) =	ssettm $0x1  }
0x92: {  	s4 =	sld [smem:$0x3FFB];
	_ =	sdelay $0x3  }
0x93: {  	_ =	strace s4  }
0x94: {  	s4 =	sld [smem:$0x3FFC];
	_ =	sdelay $0x3  }
0x95: {  	_ =	strace s4  }
0x96: {  	s4 =	sld [smem:$0x3FFD];
	_ =	sdelay $0x3  }
0x97: {  	_ =	strace s4  }
0x98: {  	_ =	strace $0x8FFFFFFF  }
0x99: {  	s19 =	sld [smem:$0x3FDB];
	_ =	sdelay $0x1  }
0x9a: {  	s5 =	simm.s32 $_scs_section_size  }
0x9b: {  	s6 =	simm.s32 $_size__tile_overlayer_lowered;
	s7 =	simm.s32 $_tile_overlayer_lowered  }
0x9c: {  	s22 =	simm.s32 $0x1BFF;
	s21 =	sshll.u32 s7, $0x1;
	s4 =	sadd.s32 s5, s19  }
0x9d: {  	s8 =	simm.s32 $0x0;
	s20 =	sshll.u32 s6, $0x1;
	s6 =	sadd.s32 s21, s4  }
0x9e: {  	[timem:s8], [sflag:s22] =	dma.local [hbm:s6], s20  }
0x9f: {  	_ =	swait.ge [sflag:s22], s20  }
0xa0: {  	s5 =	ssub.s32 $0x0, s20;
	[sflag:s22] =	ssyncset.done $0x0  }
0xa1: {  	[sflag:s22] =	ssyncadd.s32 s5;
	_ =	sdelay $0x1  }
0xa2: {  	s23 =	simm.s32 $0x1B8B  }
0xa3: {  	_ =	swait.ge [sflag:s23], $0x1  }
0xa4: {  	[sflag:s23] =	ssyncset.done $0x0  }
0xa5: {  	s25 =	simm.s32 $0x1B8E;
	s24 =	sld [smem:$0x3FFE];
	[sflag:s23] =	ssyncadd.s32 $0xFFFFFFFF  }
0xa6: {  	s26 =	simm.s32 $execute0_lowered;
	[smem:$0x3FD2] =	sst s25  }
0xa7: {  	s6 =	sshll.u32 s26, $0x1;
	_ =	strace $0x80000046;
	[dreg:$0x1] =	wrdreg $0xFFFFFFFF  }
0xa8: {  	s28 =	simm.s32 $_size_execute0_lowered;
	s4 =	sadd.s32 s4, s6;
	[dreg:$0x0] =	wrdreg $0x0  }
0xa9: {  	s6 =	sshll.u32 s28, $0x1;
	[dreg:$0x2] =	wrdreg s4  }
0xaa: {  	[dreg:$0x3] =	wrdreg s6  }
0xab: {  	[dreg:$0x4] =	wrdreg $0xC0  }
0xac: {  	_ =	task [dreg:s8], $0x5FFFF  }
0xad: {  	[dreg:$0x1] =	wrdreg $0xFFFFFFFF  }
0xae: {  	[dreg:$0x0] =	wrdreg $0x60  }
0xaf: {  	[dreg:$0x2] =	wrdreg s2  }
0xb0: {  	[dreg:$0x3] =	wrdreg s18  }
0xb1: {  	[dreg:$0x4] =	wrdreg s24  }
0xb2: {  	[dreg:$0x5] =	wrdreg $0x9  }
0xb3: {  	_ =	task.clear_ibuf [dreg:s8], $0x6FFFF;
	_ =	strace $0x90000046  }
0xb4: {  	s29 =	simm.s32 $0x9;
	_ =	strace $0x80000048  }
0xb5: {  	_ =	swait.ge [sflag:s29], $0x1  }
0xb6: {  	[sflag:s29] =	ssyncadd.s32 $0xFFFFFFFF  }
0xb7: {  	_ =	strace $0x90000048  }
0xb8: {  	_ =	sfence  }
0xb9: {  	s30 =	sld [smem:$0x0];
	_ =	sdelay $0x2  }
0xba: {  	s31 =	sshll.u32 s1, $0xD;
	s1 =	sshrl.u32 s1, $0x2  }
0xbb: {  	s3 =	sand.u32 $0x4000, s31;
	s1 =	sadd.s32 s1, s30  }
0xbc: {  	s0 =	sor.u32 s3, s0;
	s1 =	sshll.u32 s1, $0x11  }
0xbd: {  	s0 =	sor.u32 s1, s0  }
0xbe: {  	s0 =	sadd.s32 $0x8F2B, s0  }
0xbf: {  	[sflag:s0] =	ssyncadd.remote.s32 $0x1  }
0xc0: {  	_ =	sfence.sel $0xFFFF  }
0xc1: {  	[dreg:$0x0] =	wrdreg $0xFFFFFFFF;
	(pc) =	sbr.abs _section_cstart, $3  }
0xc2: {  	[dreg:$0x1] =	wrdreg $0xFFFFFFFF  }
0xc3: {  	_ =	task.clear_ibuf [dreg:s8], $0x2FFFF;
	_ =	strace $0x9FFFFFFF  }
0xc4: {  	(tm) =	ssettm $0x7FFFFFFF  }
0xc5: {  	_ =	shalt  }
tec
execute0_lowered:
.L_overlay_start_1:
0x0: {  	(tag) =	ssettag $0x1  }
0x1: {  	s1 =	rddreg [dreg:$0x0]  }
0x2: {  	s5 =	rddreg [dreg:$0x1];
	s2 =	srdreg.scid  }
0x3: {  	s0 =	stileid.u32;
	s4 =	rddreg [dreg:$0x2]  }
0x4: {  	s3 =	simm.s32 $0x0;
	s13 =	simm.s32 $0x80;
	s14 =	simm.s32 $0x400  }
0x5: {  	s15 =	simm.s32 $0x180;
	s16 =	simm.s32 $0x4000;
	s17 =	simm.s32 $0x7E80  }
0x6: {  	s18 =	simm.s32 $0xBD00;
	s19 =	simm.s32 $0x1;
	s20 =	simm.s32 $0x2  }
0x7: {  	s21 =	simm.s32 $0x3;
	s22 =	simm.s32 $0x4;
	s23 =	simm.s32 $0x100  }
0x8: {  	s6 =	sand.u32 $0x1, s2;
	s7 =	sshll.u32 s0, $0x1;
	[smem:$0x7FF] =	sst s3  }
0x9: {  	s24 =	simm.s32 $0x0;
	s7 =	sor.u32 s6, s7;
	_ =	strace $0x80000047  }
0xa: {  	s6 =	ssub.s32 $0x2, s6;
	s8 =	smul.u32 $0x3E8000, s7;
	s9 =	sshll.u32 s7, $0x4  }
.Ltmp0:
0xb: {  	s10 =	sshrl.u32 s6, $0x1;
	s11 =	sadd.s32 s9, s4;
	(pc) =	sbr.rel .LBB2_1-.Ltmp0, $4  }
0xc: {  	s12 =	ssub.s32 s6, s10;
	s4 =	sshll.u32 s7, $0x7;
	s8 =	sshrl.u32 s8, $0x3  }
0xd: {  	s5 =	sadd.s32 s5, s9;
	s10 =	sadd.s32 $0x200, s11;
	s31 =	sadd.s32 s1, s8  }
0xe: {  	s11 =	smax.u32 s12, $0x1;
	s12 =	simm.s32 $0x5;
	s6 =	sadd.s32 $0x3E80, s31  }
0xf: {  	v0 =	vlaneseq.u32;
	vm0 =	vmxor vm0, vm0;
	vm1 =	vmmov $0x1;
	s7 =	sadd.s32 $0x3E90, s31;
	s8 =	sadd.s32 $0x3EA0, s31;
	s9 =	sadd.s32 $0x3EB0, s31  }
.LBB2_12:
0x10: {  	v2 =	vld [tilespmem:$0x80]  }
0x11: {  	v3 =	vld [tilespmem:$0x0]  }
0x12: {  	v4 =	vld [tilespmem:$0x90]  }
0x13: {  	v5 =	vld [tilespmem:$0x10]  }
0x14: {  	v6 =	vld [tilespmem:$0xA0]  }
0x15: {  	v7 =	vld [tilespmem:$0x20];
	v2 =	vmul.f32 $-3.125195240e-06, v2  }
0x16: {  	v1 =	vmul.f32 $-8.999968760e-01, v1;
	vm2 =	veq.s32 v3, $0x0;
	v3 =	vld [tilespmem:$0xB0]  }
0x17: {  	v8 =	vld [tilespmem:$0x30];
	v4 =	vmul.f32 $-3.125195240e-06, v4;
	v2 =	vsel vm2, $0x0, v2  }
0x18: {  	vm2 =	veq.s32 v5, $0x0;
	v1 =	vadd.f32 v1, v2;
	v2 =	vld [tilespmem:$0xC0]  }
0x19: {  	v57 =	vld [tilespmem:$0x40];
	v56 =	vmul.f32 $-3.125195240e-06, v6;
	v4 =	vsel vm2, $0x0, v4  }
0x1a: {  	v58 =	vld [tilespmem:$0xD0];
	vm2 =	veq.s32 v7, $0x0;
	v1 =	vadd.f32 v4, v1  }
0x1b: {  	v59 =	vld [tilespmem:$0x50];
	v5 =	vsel vm2, $0x0, v56;
	v3 =	vmul.f32 $-3.125195240e-06, v3  }
0x1c: {  	v60 =	vld [tilespmem:$0xE0];
	vm2 =	veq.s32 v8, $0x0;
	v1 =	vadd.f32 v5, v1  }
0x1d: {  	v61 =	vld [tilespmem:$0x60];
	v3 =	vsel vm2, $0x0, v3;
	v2 =	vmul.f32 $-3.125195240e-06, v2  }
0x1e: {  	vm2 =	veq.s32 v57, $0x0;
	v1 =	vadd.f32 v3, v1;
	v3 =	vld [tilespmem:$0xF0]  }
0x1f: {  	v62 =	vld [tilespmem:$0x70];
	v4 =	vmul.f32 $-3.125195240e-06, v58;
	v2 =	vsel vm2, $0x0, v2  }
0x20: {  	vm2 =	veq.s32 v59, $0x0;
	v1 =	vadd.f32 v2, v1  }
0x21: {  	v63 =	vmul.f32 $-3.125195240e-06, v60;
	v2 =	vsel vm2, $0x0, v4  }
0x22: {  	vm2 =	veq.s32 v61, $0x0;
	v1 =	vadd.f32 v2, v1  }
0x23: {  	v2 =	vsel vm2, $0x0, v63;
	v3 =	vmul.f32 $-3.125195240e-06, v3  }
0x24: {  	vm2 =	veq.s32 v62, $0x0;
	v1 =	vadd.f32 v2, v1  }
0x25: {  	v2 =	vsel vm2, $0x0, v3  }
0x26: {  	s24 =	sadd.s32 $0x1, s24;
	v1 =	vadd.f32 v2, v1  }
0x27: {  	p0 =	sne.s32 s24, s11  }
.Ltmp1:
0x28: {  	[tilespmem:$0x100] =	vst v1;
	(pc) =	sbr.rel @!p0 .LBB2_13-.Ltmp1, $4  }
0x29: {  	[hbm4b:s10+s3] =	stream.linear.scatter [tilespmem:s23], [sflag:$0x5], $0x80, $0x38;
	[tilespmem:$0xFB80] =	vst v63  }
0x2a: {  	_ =	swait.ge [sflag:s12], $0x80  }
0x2b: {  	[sflag:s12] =	ssyncset.done $0x0  }
0x2c: {  	[sflag:s12] =	ssyncadd.s32 $0xFFFFFF80  }
.LBB2_1:
0x2d: {  	[tilespmem:s3], [sflag:$0x5] =	stream.linear.gather [hbm4b:s5+s3], $0x80, $0x38;
	[tilespmem:$0xFB80] =	vst v63  }
0x2e: {  	_ =	swait.ge [sflag:s12], $0x80  }
0x2f: {  	[sflag:s12] =	ssyncset.done $0x0  }
0x30: {  	[sflag:s12] =	ssyncadd.s32 $0xFFFFFF80  }
0x31: {  	[tilespmem:s15], [sflag:$0x1] =	stream.strided.gather [hbm4b:s6+s13], $0x3E80, s14, s13, $0x38;
	[tilespmem:$0xFB80] =	vst v63  }
0x32: {  	_ = 	snop  }
0x33: {  	[tilespmem:s16], [sflag:$0x2] =	stream.strided.gather [hbm4b:s7+s13], $0x3E80, s14, s13, $0x38;
	[tilespmem:$0xFB80] =	vst v63  }
0x34: {  	_ = 	snop  }
0x35: {  	[tilespmem:s17], [sflag:$0x3] =	stream.strided.gather [hbm4b:s8+s13], $0x3E80, s14, s13, $0x38;
	[tilespmem:$0xFB80] =	vst v63  }
0x36: {  	s25 =	simm.s32 $0x0  }
0x37: {  	v1 =	vimm.f32 $0.0e+00;
	[tilespmem:s18], [sflag:$0x4] =	stream.strided.gather [hbm4b:s9+s13], $0x3E80, s14, s13, $0x38;
	[tilespmem:$0xFB80] =	vst v63  }
.LBB2_2:
0x38: {  	_ =	swait.ge [sflag:s19], $0x3E80  }
0x39: {  	[sflag:s19] =	ssyncset.done $0x0  }
0x3a: {  	s29 =	simm.s32 $0x0;
	[sflag:s19] =	ssyncadd.s32 $0xFFFFC180  }
0x3b: {  	v3 =	vld [tilespmem:s29+$0x1C0]  }
0x3c: {  	v2 =	vld [tilespmem:s29+$0x1D0]  }
0x3d: {  	v4 =	vld [tilespmem:s29+$0x180]  }
0x3e: {  	v7 =	vimm.f32 $0.0e+00;
	v5 =	vld [tilespmem:s29+$0x190]  }
0x3f: {  	s26 =	simm.s32 $0x200;
	v8 =	vimm.f32 $0.0e+00;
	v9 =	vimm.f32 $0.0e+00;
	v10 =	vimm.f32 $0.0e+00;
	v6 =	vld [tilespmem:s29+$0x1A0]  }
.LBB2_3:
0x40: {  	p0 =	sne.s32 s26, $0xF800;
	v11 =	vld [tilespmem:s29+$0x1B0];
	v12 =	vmov v3  }
0x41: {  	v13 =	vld [tilespmem:s29+$0x1E0];
	v14 =	vmov v2  }
0x42: {  	v15 =	vld [tilespmem:s29+$0x1F0];
	s29 =	sshra.s32 s26, $0x2  }
.Ltmp2:
0x43: {  	v3 =	vld [tilespmem:s29+$0x1C0];
	(pc) =	sbr.rel @p0 .LBB2_3-.Ltmp2, $4  }
0x44: {  	v7 =	vadd.f32 v4, v7;
	v8 =	vadd.f32 v5, v8;
	v2 =	vld [tilespmem:s29+$0x1D0]  }
0x45: {  	v9 =	vadd.f32 v6, v9;
	v4 =	vld [tilespmem:s29+$0x180];
	v10 =	vadd.f32 v11, v10  }
0x46: {  	v7 =	vadd.f32 v12, v7;
	v8 =	vadd.f32 v14, v8;
	v5 =	vld [tilespmem:s29+$0x190]  }
0x47: {  	s26 =	sadd.s32 $0x200, s26;
	v9 =	vadd.f32 v13, v9;
	v6 =	vld [tilespmem:s29+$0x1A0];
	v10 =	vadd.f32 v15, v10  }
0x48: {  	s28 =	sshll.u32 s25, $0x2  }
0x49: {  	s26 =	sand.u32 $0x70, s28  }
0x4a: {  	v11 =	vld [tilespmem:s26+$0x0];
	_ =	sdelay $0x1  }
0x4b: {  	s30 =	sand.u32 $0xC, s28  }
0x4c: {  	v12 =	vmov s30  }
0x4d: {  	vm2 =	veq.s32 v12, v0  }
0x4e: {  	v11 =	vnsel vm2, $0x0, v11  }
0x4f: {  	(xrf0) =	vadd.scan.msk.s32 $0xffff, v11;
	_ =	sdelay $0x4  }
0x50: {  	v11 =	vld [tilespmem:s29+$0x1B0]  }
0x51: {  	v62 =	vld [tilespmem:s29+$0x1E0];
	v13, _, _ =	vpop (xrf0)  }
0x52: {  	v63 =	vld [tilespmem:s29+$0x1F0];
	(v2sf) =	vpush v13, $0xF;
	_ =	sdelay $0x1  }
0x53: {  	v4 =	vadd.f32 v4, v7;
	v5 =	vadd.f32 v5, v8  }
0x54: {  	v6 =	vadd.f32 v6, v9;
	v7 =	vadd.f32 v11, v10  }
0x55: {  	v3 =	vadd.f32 v3, v4;
	v2 =	vadd.f32 v2, v5  }
0x56: {  	v4 =	vadd.f32 v62, v6;
	v5 =	vadd.f32 v63, v7;
	_ =	sdelay $0x1  }
0x57: {  	v2 =	vadd.f32 v2, v3;
	v3 =	vadd.f32 v5, v4;
	_ =	sdelay $0x1  }
0x58: {  	v2 =	vadd.f32 v3, v2;
	_ =	sdelay $0x1  }
0x59: {  	(xrf2) =	vadd.scan.msk.f32 $0xffff, v2;
	_ =	sdelay $0x3  }
0x5a: {  	s29 =	spop (v2sf)  }
0x5b: {  	p0 =	seq.s32 s25, $0x1F;
	p2 =	sgt.s32 s29, $0x3E80  }
0x5c: {  	s30 =	sor.u32 @!p0 s4, s28;
	p1 =	sgt.s32 s29, $0x3E7F;
	s29 =	simm.s32 @!p2 $0x3E80  }
0x5d: {  	s30 =	sadd.s32 @!p0 $0x4, s30;
	s29 =	sadd.s32 $0xFFFFC180, s29  }
0x5e: {  	s31 =	sshrl.u32 @!p0 s30, $0x3;
	v3 =	vld [tilespmem:s26+$0x80];
	v2 =	vmov s29  }
0x5f: {  	s30 =	sshll.u32 @!p0 s30, $0x7;
	s29 =	smul.u32 @!p0 $0x3E800, s31  }
0x60: {  	s30 =	sand.u32 @!p0 $0x200, s30;
	v4, _, _ =	vpop (xrf2)  }
0x61: {  	v4 =	vbroadcast v4, $0xF;
	s29 =	sor.u32 @!p0 s30, s29  }
0x62: {  	s29 =	sadd.s32 @!p0 $0x1F400, s29  }
0x63: {  	s2 =	simm.s32 @!p0 $0x180;
	s29 =	sshrl.u32 @!p0 s29, $0x3;
	v5 =	vld.idx.msk [tilespmem:v2+s15+$0x0], $0xffff;
	v2 =	vsel vm2, v4, v3  }
0x64: {  	s31 =	simm.s32 @!p0 $0x400;
	s30 =	simm.s32 @!p0 $0x80;
	s29 =	sadd.s32 @!p0 s1, s29;
	[tilespmem:s26+$0x80] =	vst v2  }
0x65: {  	[tilespmem:s2], [sflag:$0x1] =	stream.strided.gather @!p0 [hbm4b:s29+s30], $0x3E80, s31, s30, $0x38;
	[tilespmem:$0xFB80] =	vst v63  }
0x66: {  	_ =	swait.ge [sflag:s20], $0x3E80  }
0x67: {  	[sflag:s20] =	ssyncset.done $0x0  }
0x68: {  	vm2 =	vmmov vm0;
	s29 =	simm.s32 $0x0;
	[sflag:s20] =	ssyncadd.s32 $0xFFFFC180  }
0x69: {  	vm2 =	vmneg @p1 vm2;
	v2 =	vld [tilespmem:s29+$0x4040]  }
0x6a: {  	vm2 =	vmand vm2, vm1;
	v3 =	vld [tilespmem:s29+$0x4050]  }
0x6b: {  	v5 =	vnsel vm2, $0x0, v5;
	v4 =	vld [tilespmem:s29+$0x4000]  }
0x6c: {  	v8 =	vimm.f32 $0.0e+00;
	v1 =	vadd.f32 v5, v1;
	v5 =	vld [tilespmem:s29+$0x4010]  }
0x6d: {  	v9 =	vimm.f32 $0.0e+00;
	v10 =	vimm.f32 $0.0e+00;
	v7 =	vimm.f32 $0.0e+00;
	s30 =	simm.s32 $0x200;
	v6 =	vld [tilespmem:s29+$0x4020]  }
.LBB2_5:
0x6e: {  	p1 =	sne.s32 s30, $0xF800;
	v11 =	vld [tilespmem:s29+$0x4030];
	v12 =	vmov v2  }
0x6f: {  	v13 =	vld [tilespmem:s29+$0x4060];
	v14 =	vmov v3  }
0x70: {  	v15 =	vld [tilespmem:s29+$0x4070];
	s29 =	sshra.s32 s30, $0x2  }
.Ltmp3:
0x71: {  	v2 =	vld [tilespmem:s29+$0x4040];
	(pc) =	sbr.rel @p1 .LBB2_5-.Ltmp3, $4  }
0x72: {  	v7 =	vadd.f32 v4, v7;
	v8 =	vadd.f32 v5, v8;
	v3 =	vld [tilespmem:s29+$0x4050]  }
0x73: {  	v9 =	vadd.f32 v6, v9;
	v4 =	vld [tilespmem:s29+$0x4000];
	v10 =	vadd.f32 v11, v10  }
0x74: {  	v7 =	vadd.f32 v12, v7;
	v8 =	vadd.f32 v14, v8;
	v5 =	vld [tilespmem:s29+$0x4010]  }
0x75: {  	s30 =	sadd.s32 $0x200, s30;
	v9 =	vadd.f32 v13, v9;
	v6 =	vld [tilespmem:s29+$0x4020];
	v10 =	vadd.f32 v15, v10  }
0x76: {  	v11 =	vld [tilespmem:s26+$0x0]  }
0x77: {  	s2 =	sor.u32 $0x1, s28  }
0x78: {  	s30 =	sand.u32 $0xD, s2  }
0x79: {  	v12 =	vmov s30  }
0x7a: {  	vm2 =	veq.s32 v12, v0  }
0x7b: {  	v11 =	vnsel vm2, $0x0, v11  }
0x7c: {  	(xrf0) =	vadd.scan.msk.s32 $0xffff, v11;
	_ =	sdelay $0x4  }
0x7d: {  	v11 =	vld [tilespmem:s29+$0x4030]  }
0x7e: {  	v62 =	vld [tilespmem:s29+$0x4060];
	v13, _, _ =	vpop (xrf0)  }
0x7f: {  	v63 =	vld [tilespmem:s29+$0x4070];
	(v2sf) =	vpush v13, $0xF;
	_ =	sdelay $0x1  }
0x80: {  	v4 =	vadd.f32 v4, v7;
	v5 =	vadd.f32 v5, v8  }
0x81: {  	v6 =	vadd.f32 v6, v9;
	v7 =	vadd.f32 v11, v10  }
0x82: {  	v2 =	vadd.f32 v2, v4;
	v3 =	vadd.f32 v3, v5  }
0x83: {  	v4 =	vadd.f32 v62, v6;
	v5 =	vadd.f32 v63, v7;
	_ =	sdelay $0x1  }
0x84: {  	v2 =	vadd.f32 v3, v2;
	v3 =	vadd.f32 v5, v4;
	_ =	sdelay $0x1  }
0x85: {  	v2 =	vadd.f32 v3, v2;
	_ =	sdelay $0x1  }
0x86: {  	(xrf2) =	vadd.scan.msk.f32 $0xffff, v2;
	_ =	sdelay $0x3  }
0x87: {  	s29 =	spop (v2sf)  }
0x88: {  	p2 =	sgt.s32 s29, $0x3E80  }
0x89: {  	s2 =	sor.u32 @!p0 s4, s2;
	p1 =	sgt.s32 s29, $0x3E7F;
	s29 =	simm.s32 @!p2 $0x3E80  }
0x8a: {  	s2 =	sadd.s32 @!p0 $0x4, s2;
	s29 =	sadd.s32 $0xFFFFC180, s29  }
0x8b: {  	s30 =	sshrl.u32 @!p0 s2, $0x3;
	v3 =	vld [tilespmem:s26+$0x80];
	v2 =	vmov s29  }
0x8c: {  	s2 =	sshll.u32 @!p0 s2, $0x7;
	s29 =	smul.u32 @!p0 $0x3E800, s30  }
0x8d: {  	s2 =	sand.u32 @!p0 $0x280, s2;
	v4, _, _ =	vpop (xrf2)  }
0x8e: {  	v4 =	vbroadcast v4, $0xF;
	s2 =	sor.u32 @!p0 s2, s29  }
0x8f: {  	s2 =	sadd.s32 @!p0 $0x1F400, s2  }
0x90: {  	s31 =	simm.s32 @!p0 $0x4000;
	s2 =	sshrl.u32 @!p0 s2, $0x3;
	v5 =	vld.idx.msk [tilespmem:v2+s16+$0x0], $0xffff;
	v2 =	vsel vm2, v4, v3  }
0x91: {  	s30 =	simm.s32 @!p0 $0x400;
	s29 =	simm.s32 @!p0 $0x80;
	s2 =	sadd.s32 @!p0 s1, s2;
	[tilespmem:s26+$0x80] =	vst v2  }
0x92: {  	[tilespmem:s31], [sflag:$0x2] =	stream.strided.gather @!p0 [hbm4b:s2+s29], $0x3E80, s30, s29, $0x38;
	[tilespmem:$0xFB80] =	vst v63  }
0x93: {  	_ =	swait.ge [sflag:s21], $0x3E80  }
0x94: {  	[sflag:s21] =	ssyncset.done $0x0  }
0x95: {  	vm2 =	vmmov vm0;
	s29 =	simm.s32 $0x0;
	[sflag:s21] =	ssyncadd.s32 $0xFFFFC180  }
0x96: {  	vm2 =	vmneg @p1 vm2;
	v2 =	vld [tilespmem:s29+$0x7EC0]  }
0x97: {  	vm2 =	vmand vm2, vm1;
	v3 =	vld [tilespmem:s29+$0x7ED0]  }
0x98: {  	v5 =	vnsel vm2, $0x0, v5;
	v4 =	vld [tilespmem:s29+$0x7E80]  }
0x99: {  	v8 =	vimm.f32 $0.0e+00;
	v1 =	vadd.f32 v5, v1;
	v5 =	vld [tilespmem:s29+$0x7E90]  }
0x9a: {  	v9 =	vimm.f32 $0.0e+00;
	v10 =	vimm.f32 $0.0e+00;
	v7 =	vimm.f32 $0.0e+00;
	s30 =	simm.s32 $0x200;
	v6 =	vld [tilespmem:s29+$0x7EA0]  }
.LBB2_7:
0x9b: {  	p1 =	sne.s32 s30, $0xF800;
	v11 =	vld [tilespmem:s29+$0x7EB0];
	v12 =	vmov v2  }
0x9c: {  	v13 =	vld [tilespmem:s29+$0x7EE0];
	v14 =	vmov v3  }
0x9d: {  	v15 =	vld [tilespmem:s29+$0x7EF0];
	s29 =	sshra.s32 s30, $0x2  }
.Ltmp4:
0x9e: {  	v2 =	vld [tilespmem:s29+$0x7EC0];
	(pc) =	sbr.rel @p1 .LBB2_7-.Ltmp4, $4  }
0x9f: {  	v7 =	vadd.f32 v4, v7;
	v8 =	vadd.f32 v5, v8;
	v3 =	vld [tilespmem:s29+$0x7ED0]  }
0xa0: {  	v9 =	vadd.f32 v6, v9;
	v4 =	vld [tilespmem:s29+$0x7E80];
	v10 =	vadd.f32 v11, v10  }
0xa1: {  	v7 =	vadd.f32 v12, v7;
	v8 =	vadd.f32 v14, v8;
	v5 =	vld [tilespmem:s29+$0x7E90]  }
0xa2: {  	s30 =	sadd.s32 $0x200, s30;
	v9 =	vadd.f32 v13, v9;
	v6 =	vld [tilespmem:s29+$0x7EA0];
	v10 =	vadd.f32 v15, v10  }
0xa3: {  	v11 =	vld [tilespmem:s26+$0x0]  }
0xa4: {  	s2 =	sor.u32 $0x2, s28  }
0xa5: {  	s30 =	sand.u32 $0xE, s2  }
0xa6: {  	v12 =	vmov s30  }
0xa7: {  	vm2 =	veq.s32 v12, v0  }
0xa8: {  	v11 =	vnsel vm2, $0x0, v11  }
0xa9: {  	(xrf0) =	vadd.scan.msk.s32 $0xffff, v11;
	_ =	sdelay $0x4  }
0xaa: {  	v11 =	vld [tilespmem:s29+$0x7EB0]  }
0xab: {  	v62 =	vld [tilespmem:s29+$0x7EE0];
	v13, _, _ =	vpop (xrf0)  }
0xac: {  	v63 =	vld [tilespmem:s29+$0x7EF0];
	(v2sf) =	vpush v13, $0xF;
	_ =	sdelay $0x1  }
0xad: {  	v4 =	vadd.f32 v4, v7;
	v5 =	vadd.f32 v5, v8  }
0xae: {  	v6 =	vadd.f32 v6, v9;
	v7 =	vadd.f32 v11, v10  }
0xaf: {  	v2 =	vadd.f32 v2, v4;
	v3 =	vadd.f32 v3, v5  }
0xb0: {  	v4 =	vadd.f32 v62, v6;
	v5 =	vadd.f32 v63, v7;
	_ =	sdelay $0x1  }
0xb1: {  	v2 =	vadd.f32 v3, v2;
	v3 =	vadd.f32 v5, v4;
	_ =	sdelay $0x1  }
0xb2: {  	v2 =	vadd.f32 v3, v2;
	_ =	sdelay $0x1  }
0xb3: {  	(xrf2) =	vadd.scan.msk.f32 $0xffff, v2;
	_ =	sdelay $0x3  }
0xb4: {  	s29 =	spop (v2sf)  }
0xb5: {  	p2 =	sgt.s32 s29, $0x3E80  }
0xb6: {  	s2 =	sor.u32 @!p0 s4, s2;
	p1 =	sgt.s32 s29, $0x3E7F;
	s29 =	simm.s32 @!p2 $0x3E80  }
0xb7: {  	s2 =	sadd.s32 @!p0 $0x4, s2;
	s29 =	sadd.s32 $0xFFFFC180, s29  }
0xb8: {  	s30 =	sshrl.u32 @!p0 s2, $0x3;
	v3 =	vld [tilespmem:s26+$0x80];
	v2 =	vmov s29  }
0xb9: {  	s2 =	sshll.u32 @!p0 s2, $0x7;
	s29 =	smul.u32 @!p0 $0x3E800, s30  }
0xba: {  	s2 =	sand.u32 @!p0 $0x300, s2;
	v4, _, _ =	vpop (xrf2)  }
0xbb: {  	v4 =	vbroadcast v4, $0xF;
	s2 =	sor.u32 @!p0 s2, s29  }
0xbc: {  	s2 =	sadd.s32 @!p0 $0x1F400, s2  }
0xbd: {  	s31 =	simm.s32 @!p0 $0x7E80;
	s2 =	sshrl.u32 @!p0 s2, $0x3;
	v5 =	vld.idx.msk [tilespmem:v2+s17+$0x0], $0xffff;
	v2 =	vsel vm2, v4, v3  }
0xbe: {  	s30 =	simm.s32 @!p0 $0x400;
	s29 =	simm.s32 @!p0 $0x80;
	s2 =	sadd.s32 @!p0 s1, s2;
	[tilespmem:s26+$0x80] =	vst v2  }
0xbf: {  	[tilespmem:s31], [sflag:$0x3] =	stream.strided.gather @!p0 [hbm4b:s2+s29], $0x3E80, s30, s29, $0x38;
	[tilespmem:$0xFB80] =	vst v63  }
0xc0: {  	_ =	swait.ge [sflag:s22], $0x3E80  }
0xc1: {  	[sflag:s22] =	ssyncset.done $0x0  }
0xc2: {  	vm2 =	vmmov vm0;
	s29 =	simm.s32 $0x0;
	[sflag:s22] =	ssyncadd.s32 $0xFFFFC180  }
0xc3: {  	vm2 =	vmneg @p1 vm2;
	v2 =	vld [tilespmem:s29+$0xBD40]  }
0xc4: {  	vm2 =	vmand vm2, vm1;
	v3 =	vld [tilespmem:s29+$0xBD50]  }
0xc5: {  	v5 =	vnsel vm2, $0x0, v5;
	v4 =	vld [tilespmem:s29+$0xBD00]  }
0xc6: {  	v8 =	vimm.f32 $0.0e+00;
	v1 =	vadd.f32 v5, v1;
	v5 =	vld [tilespmem:s29+$0xBD10]  }
0xc7: {  	v9 =	vimm.f32 $0.0e+00;
	v10 =	vimm.f32 $0.0e+00;
	v7 =	vimm.f32 $0.0e+00;
	s30 =	simm.s32 $0x200;
	v6 =	vld [tilespmem:s29+$0xBD20]  }
.LBB2_9:
0xc8: {  	p1 =	sne.s32 s30, $0xF800;
	v11 =	vld [tilespmem:s29+$0xBD30];
	v12 =	vmov v2  }
0xc9: {  	v13 =	vld [tilespmem:s29+$0xBD60];
	v14 =	vmov v3  }
0xca: {  	v15 =	vld [tilespmem:s29+$0xBD70];
	s29 =	sshra.s32 s30, $0x2  }
.Ltmp5:
0xcb: {  	v2 =	vld [tilespmem:s29+$0xBD40];
	(pc) =	sbr.rel @p1 .LBB2_9-.Ltmp5, $4  }
0xcc: {  	v7 =	vadd.f32 v4, v7;
	v8 =	vadd.f32 v5, v8;
	v3 =	vld [tilespmem:s29+$0xBD50]  }
0xcd: {  	v9 =	vadd.f32 v6, v9;
	v4 =	vld [tilespmem:s29+$0xBD00];
	v10 =	vadd.f32 v11, v10  }
0xce: {  	v7 =	vadd.f32 v12, v7;
	v8 =	vadd.f32 v14, v8;
	v5 =	vld [tilespmem:s29+$0xBD10]  }
0xcf: {  	s30 =	sadd.s32 $0x200, s30;
	v9 =	vadd.f32 v13, v9;
	v6 =	vld [tilespmem:s29+$0xBD20];
	v10 =	vadd.f32 v15, v10  }
0xd0: {  	v11 =	vld [tilespmem:s26+$0x0]  }
0xd1: {  	s28 =	sor.u32 $0x3, s28  }
0xd2: {  	s2 =	sand.u32 $0xF, s28  }
0xd3: {  	v12 =	vmov s2  }
0xd4: {  	vm2 =	veq.s32 v12, v0  }
0xd5: {  	v11 =	vnsel vm2, $0x0, v11  }
0xd6: {  	(xrf0) =	vadd.scan.msk.s32 $0xffff, v11;
	_ =	sdelay $0x5  }
0xd7: {  	v11, _, _ =	vpop (xrf0)  }
0xd8: {  	(v2sf) =	vpush v11, $0xF;
	_ =	sdelay $0x2  }
0xd9: {  	v58 =	vld [tilespmem:s29+$0xBD30]  }
0xda: {  	v59 =	vld [tilespmem:s29+$0xBD60]  }
0xdb: {  	v13 =	vld [tilespmem:s29+$0xBD70];
	_ =	sdelay $0x1  }
0xdc: {  	v4 =	vadd.f32 v4, v7;
	v5 =	vadd.f32 v5, v8  }
0xdd: {  	v6 =	vadd.f32 v6, v9;
	v60 =	vadd.f32 v58, v10  }
0xde: {  	v2 =	vadd.f32 v2, v4;
	v3 =	vadd.f32 v3, v5  }
0xdf: {  	v61 =	vadd.f32 v59, v6;
	v62 =	vadd.f32 v13, v60;
	_ =	sdelay $0x1  }
0xe0: {  	v2 =	vadd.f32 v3, v2;
	v3 =	vadd.f32 v62, v61;
	_ =	sdelay $0x1  }
0xe1: {  	v2 =	vadd.f32 v3, v2  }
0xe2: {  	s2 =	spop (v2sf)  }
0xe3: {  	(xrf2) =	vadd.scan.msk.f32 $0xffff, v2;
	p2 =	sgt.s32 s2, $0x3E80  }
0xe4: {  	p1 =	sgt.s32 s2, $0x3E7F;
	s2 =	simm.s32 @!p2 $0x3E80  }
0xe5: {  	s2 =	sadd.s32 $0xFFFFC180, s2  }
0xe6: {  	v2 =	vmov s2;
	_ =	sdelay $0x3  }
0xe7: {  	v3 =	vld [tilespmem:s26+$0x80]  }
0xe8: {  	v2 =	vld.idx.msk [tilespmem:v2+s18+$0x0], $0xffff;
	_ =	sdelay $0x1  }
.Ltmp6:
0xe9: {  	vm3 =	vmmov vm0;
	v63, _, _ =	vpop (xrf2);
	(pc) =	sbr.rel @p0 .LBB2_12-.Ltmp6, $4  }
0xea: {  	v4 =	vbroadcast v63, $0xF;
	vm3 =	vmneg @p1 vm3  }
0xeb: {  	vm3 =	vmand vm3, vm1  }
0xec: {  	v3 =	vsel vm2, v4, v3;
	v2 =	vnsel vm3, $0x0, v2  }
0xed: {  	[tilespmem:s26+$0x80] =	vst v3;
	v1 =	vadd.f32 v2, v1  }
0xee: {  	s2 =	sor.u32 s4, s28  }
0xef: {  	s2 =	sadd.s32 $0x4, s2  }
0xf0: {  	s26 =	sshrl.u32 s2, $0x3  }
0xf1: {  	s2 =	sshll.u32 s2, $0x7;
	s26 =	smul.u32 $0x3E800, s26  }
0xf2: {  	s2 =	sand.u32 $0x380, s2  }
.Ltmp7:
0xf3: {  	s2 =	sor.u32 s2, s26;
	(pc) =	sbr.rel .LBB2_2-.Ltmp7, $4  }
0xf4: {  	s2 =	sadd.s32 $0x1F400, s2  }
0xf5: {  	s2 =	sshrl.u32 s2, $0x3  }
0xf6: {  	s25 =	sadd.s32 $0x1, s25;
	s2 =	sadd.s32 s1, s2  }
0xf7: {  	[tilespmem:s18], [sflag:$0x4] =	stream.strided.gather [hbm4b:s2+s13], $0x3E80, s14, s13, $0x38;
	[tilespmem:$0xFB80] =	vst v63  }
.LBB2_13:
0xf8: {  	_ =	sfence.sel $0x180000  }
0xf9: {  	[bflag:$0x0] =	sbarrier.arrive $0xFFFF  }
0xfa: {  	_ =	strace $0x90000047  }
0xfb: {  	[bflag:$0x2] =	sbarrier.arrive $0xFFFF  }
0xfc: {  	p0 =	sne.s32 s0, $0x0;
	s0 =	rddreg [dreg:$0x3]  }
0xfd: {  	s0 =	sadd.s32 @!p0 $0x100000, s0  }
0xfe: {  	[sflag:s0] =	ssyncadd.tile.s32 @!p0 $0x1;
	_ =	shalt  }
.Lfunc_end2:
_tile_overlayer_lowered:
.L_overlay_start_2:
0xff: {  	(tag) =	ssettag $0x2  }
0x100: {  	s0 =	rddreg [dreg:$0x0];
	s2 =	stileid.u32  }
0x101: {  	s1 =	rddreg [dreg:$0x1];
	p0 =	sne.s32 s2, $0x0  }
0x102: {  	s3 =	rddreg [dreg:$0x2];
	[bflag:$0x3] =	sbarrier.arrive $0xFFFF;
	s2 =	simm.s32 @!p0 $0x1C05  }
0x103: {  	[timem:s3], [sflag:s2] =	dma.local @!p0 [hbm:s0], s1  }
0x104: {  	s0 =	simm.s32 @!p0 $0x5  }
0x105: {  	_ =	swait.ge @!p0 [sflag:s0], s1  }
0x106: {  	s1 =	ssub.s32 @!p0 $0x0, s1;
	[sflag:s0] =	ssyncset.done @!p0 $0x0  }
0x107: {  	[sflag:s0] =	ssyncadd.s32 @!p0 s1  }
0x108: {  	[bflag:$0x3] =	sbarrier.arrive $0xFFFF  }
0x109: {  	_ =	shalt  }

</sc_bundles>
